<compile_context>
chip_gen: v7x
topology: tpu7x:2x2x1
jax: 0.10.2.dev20260603
libtpu: 0.0.44.dev20260713+nightly
codegen_flags: <defaults>
</compile_context>

<pallas_src>
import functools

import jax
import jax.numpy as jnp
from jax import lax
from jax.experimental import pallas as pl
from jax.experimental.pallas import tpu as pltpu
from jax.experimental.pallas import tpu_sc as plsc

N = 10000
E = 320000
H = 128
OUT = 3

NC = 2
NS = 16
NW = NC * NS
B = 128
NCH = 160
KI = 16
NSL = NCH // KI
EPAD = NW * NCH * B
NP = 10112
RPS = NP // NS

BLK = 1000
NB = N // BLK

_mesh = plsc.VectorSubcoreMesh(core_axis_name="c", subcore_axis_name="s")


def _unpack_chunk(prow, frow):

    def row(r, carry):
        for q in range(4):
            w = prow[r, pl.ds(16 * q, 16)]
            bf = plsc.bitcast(w, jnp.bfloat16)
            aa, bb = plsc.unpack(bf, format=plsc.PackFormat.INTERLEAVED)
            frow[r, pl.ds(16 * q, 16)] = aa
            frow[r, pl.ds(64 + 16 * q, 16)] = bb
        return carry

    lax.fori_loop(0, B, row, 0)


@functools.partial(
    pl.kernel,
    mesh=_mesh,
    out_type=jax.ShapeDtypeStruct((NC, NP, H), jnp.float32),
    compiler_params=pltpu.CompilerParams(use_tc_tiling_on_sc=False,
                                         needs_layout_passes=False),
    scratch_types=[
        pltpu.VMEM((KI, 2, B), jnp.int32),
        pltpu.VMEM((B, H // 2), jnp.int32),
        pltpu.VMEM((B, H // 2), jnp.int32),
        pltpu.VMEM((B, H), jnp.float32),
        pltpu.VMEM_SHARED((NP, H), jnp.float32),
        pltpu.SemaphoreType.DMA,
        pltpu.SemaphoreType.DMA,
        pltpu.SemaphoreType.DMA,
    ],
)
def _sc_agg(hpk_hbm, sd_hbm, zeros_hbm, out_hbm, islab, prow0, prow1, frow,
            acc, sg0, sg1, ss):
    c = lax.axis_index("c")
    s = lax.axis_index("s")
    w = c * NS + s
    pltpu.sync_copy(zeros_hbm, acc.at[pl.ds(s * RPS, RPS)])
    plsc.subcore_barrier()

    def slab(u, carry):
        pltpu.sync_copy(sd_hbm.at[w, pl.ds(u * KI, KI)], islab)
        pltpu.async_copy(hpk_hbm.at[islab.at[0, 0]], prow0, sg0)
        pltpu.async_copy(hpk_hbm.at[islab.at[1, 0]], prow1, sg1)

        def pair(p, carry2):
            a = 2 * p
            b = a + 1
            pltpu.make_async_copy(hpk_hbm.at[islab.at[a, 0]], prow0, sg0).wait()

            @pl.when(p > 0)
            def _():
                pltpu.make_async_copy(frow, acc.at[islab.at[a - 1, 1]], ss).wait()

            _unpack_chunk(prow0, frow)
            pltpu.async_copy(frow, acc.at[islab.at[a, 1]], ss, add=True)

            @pl.when(p < KI // 2 - 1)
            def _():
                pltpu.async_copy(hpk_hbm.at[islab.at[a + 2, 0]], prow0, sg0)

            pltpu.make_async_copy(hpk_hbm.at[islab.at[b, 0]], prow1, sg1).wait()
            pltpu.make_async_copy(frow, acc.at[islab.at[a, 1]], ss).wait()
            _unpack_chunk(prow1, frow)
            pltpu.async_copy(frow, acc.at[islab.at[b, 1]], ss, add=True)

            @pl.when(p < KI // 2 - 1)
            def _():
                pltpu.async_copy(hpk_hbm.at[islab.at[b + 2, 0]], prow1, sg1)

            return carry2

        lax.fori_loop(0, KI // 2, pair, carry)
        pltpu.make_async_copy(frow, acc.at[islab.at[KI - 1, 1]], ss).wait()
        return carry

    lax.fori_loop(0, NSL, slab, 0)
    plsc.subcore_barrier()
    pltpu.sync_copy(acc.at[pl.ds(s * RPS, RPS)], out_hbm.at[c, pl.ds(s * RPS, RPS)])


@functools.partial(
    pl.kernel,
    mesh=_mesh,
    out_type=jax.ShapeDtypeStruct((NC, NP, H), jnp.float32),
    scratch_types=[
        pltpu.VMEM((KI, 2, B), jnp.int32),
        pltpu.VMEM((B, H), jnp.float32),
        pltpu.VMEM_SHARED((NP, H), jnp.float32),
        pltpu.SemaphoreType.DMA,
    ],
)
def _sc_deg(sd_hbm, ones_hbm, zeros_hbm, out_hbm, islab, ones_v, acc, sem):
    c = lax.axis_index("c")
    s = lax.axis_index("s")
    w = c * NS + s
    pltpu.sync_copy(ones_hbm, ones_v)
    pltpu.sync_copy(zeros_hbm, acc.at[pl.ds(s * RPS, RPS)])
    plsc.subcore_barrier()

    def slab(u, carry):
        pltpu.sync_copy(sd_hbm.at[w, pl.ds(u * KI, KI)], islab)

        def fire(j, carry2):
            pltpu.async_copy(ones_v, acc.at[islab.at[j, 1]], sem, add=True)
            return carry2

        lax.fori_loop(0, KI, fire, carry)

        def drain(j, carry2):
            pltpu.make_async_copy(ones_v, acc.at[islab.at[j, 1]], sem).wait()
            return carry2

        lax.fori_loop(0, KI, drain, carry)
        return carry

    lax.fori_loop(0, NSL, slab, 0)
    plsc.subcore_barrier()
    pltpu.sync_copy(acc.at[pl.ds(s * RPS, RPS)], out_hbm.at[c, pl.ds(s * RPS, RPS)])


def _pack_h(hn):
    lo = hn[:, 0:H // 2].astype(jnp.bfloat16)
    hi = hn[:, H // 2:H].astype(jnp.bfloat16)
    lo_u = lax.convert_element_type(lax.bitcast_convert_type(lo, jnp.uint16),
                                    jnp.uint32)
    hi_u = lax.convert_element_type(lax.bitcast_convert_type(hi, jnp.uint16),
                                    jnp.uint32)
    return lax.bitcast_convert_type(lo_u | (hi_u << 16), jnp.int32)


def _dense_body(h_ref, c_ref, agg_ref, deg_ref, vr_ref, w1_ref, w2_ref, wih_ref,
                whh_ref, b_ref, gam_ref, bet_ref, hn_ref, cn_ref, hpk_ref,
                rec_s, stats):
    p = pl.program_id(0)
    i = pl.program_id(1)

    @pl.when(p == 0)
    def _phase0():
        a = agg_ref[0] + agg_ref[1]
        deg = deg_ref[0][:, 0:1] + deg_ref[1][:, 0:1]
        x = jnp.dot(a, w1_ref[...], preferred_element_type=jnp.float32)
        x = x + jnp.dot(h_ref[...] * deg, w2_ref[...],
                        preferred_element_type=jnp.float32)
        rec = x * vr_ref[...]
        rec_s[pl.ds(i * BLK, BLK), :] = rec
        s1 = jnp.sum(rec, axis=0, keepdims=True)
        s2 = jnp.sum(rec * rec, axis=0, keepdims=True)

        @pl.when(i == 0)
        def _():
            stats[0:1, :] = s1
            stats[1:2, :] = s2

        @pl.when(i > 0)
        def _():
            stats[0:1, :] = stats[0:1, :] + s1
            stats[1:2, :] = stats[1:2, :] + s2

    @pl.when(p == 1)
    def _phase1():
        inv_n = jnp.float32(1.0 / N)
        mean = stats[0:1, :] * inv_n
        var = stats[1:2, :] * inv_n - mean * mean
        scale = lax.rsqrt(var + 1e-5) * gam_ref[...]
        rec = (rec_s[pl.ds(i * BLK, BLK), :] - mean) * scale + bet_ref[...]
        g = (jnp.dot(rec, wih_ref[...], preferred_element_type=jnp.float32)
             + jnp.dot(h_ref[...], whh_ref[...], preferred_element_type=jnp.float32)
             + b_ref[...])
        ig = jax.nn.sigmoid(g[:, 0:H])
        fg = jax.nn.sigmoid(g[:, H:2 * H])
        gg = jnp.tanh(g[:, 2 * H:3 * H])
        og = jax.nn.sigmoid(g[:, 3 * H:4 * H])
        cn = fg * c_ref[...] + ig * gg
        hn = og * jnp.tanh(cn)
        cn_ref[...] = cn
        hn_ref[...] = hn
        hpk_ref[...] = _pack_h(hn)


_dense = pl.pallas_call(
    _dense_body,
    grid=(2, NB),
    in_specs=[
        pl.BlockSpec((BLK, H), lambda p, i: (i, 0)),
        pl.BlockSpec((BLK, H), lambda p, i: (i, 0)),
        pl.BlockSpec((NC, BLK, H), lambda p, i: (0, i, 0)),
        pl.BlockSpec((NC, BLK, H), lambda p, i: (0, i, 0)),
        pl.BlockSpec((BLK, 1), lambda p, i: (i, 0)),
        pl.BlockSpec((H, H), lambda p, i: (0, 0)),
        pl.BlockSpec((H, H), lambda p, i: (0, 0)),
        pl.BlockSpec((H, 4 * H), lambda p, i: (0, 0)),
        pl.BlockSpec((H, 4 * H), lambda p, i: (0, 0)),
        pl.BlockSpec((1, 4 * H), lambda p, i: (0, 0)),
        pl.BlockSpec((1, H), lambda p, i: (0, 0)),
        pl.BlockSpec((1, H), lambda p, i: (0, 0)),
    ],
    out_specs=[
        pl.BlockSpec((BLK, H), lambda p, i: (i, 0)),
        pl.BlockSpec((BLK, H), lambda p, i: (i, 0)),
        pl.BlockSpec((BLK, H // 2), lambda p, i: (i, 0)),
    ],
    out_shape=[
        jax.ShapeDtypeStruct((N, H), jnp.float32),
        jax.ShapeDtypeStruct((N, H), jnp.float32),
        jax.ShapeDtypeStruct((N, H // 2), jnp.int32),
    ],
    scratch_shapes=[
        pltpu.VMEM((N, H), jnp.float32),
        pltpu.VMEM((2, H), jnp.float32),
    ],
)


def _pack_body(h_ref, hpk_ref):
    hpk_ref[...] = _pack_h(h_ref[...])


_pack = pl.pallas_call(
    _pack_body,
    grid=(NB,),
    in_specs=[pl.BlockSpec((BLK, H), lambda i: (i, 0))],
    out_specs=pl.BlockSpec((BLK, H // 2), lambda i: (i, 0)),
    out_shape=jax.ShapeDtypeStruct((N, H // 2), jnp.int32),
)


def _softmax_body(h_ref, wout_ref, y_ref):
    logits = jnp.dot(h_ref[...], wout_ref[...], preferred_element_type=jnp.float32)
    col = lax.broadcasted_iota(jnp.int32, (BLK, H), 1)
    masked = jnp.where(col < OUT, logits, -jnp.inf)
    m = jnp.max(masked, axis=1, keepdims=True)
    ex = jnp.exp(masked - m)
    y = ex / jnp.sum(ex, axis=1, keepdims=True)
    y_ref[...] = y[:, 0:OUT]


_softmax = pl.pallas_call(
    _softmax_body,
    grid=(NB,),
    in_specs=[
        pl.BlockSpec((BLK, H), lambda i: (i, 0)),
        pl.BlockSpec((H, H), lambda i: (0, 0)),
    ],
    out_specs=pl.BlockSpec((BLK, OUT), lambda i: (i, 0)),
    out_shape=jax.ShapeDtypeStruct((N, OUT), jnp.float32),
)


def kernel(edge_index, h0, var_reg, steps, W_msg, gamma, beta, W_ih, W_hh,
           b_ih, b_hh, W_out):
    ei = edge_index.astype(jnp.int32)
    src2 = jnp.concatenate([ei[0], ei[1]])
    dst2 = jnp.concatenate([ei[1], ei[0]])
    pad = EPAD - 2 * E
    srcp = jnp.concatenate([src2, jnp.zeros((pad,), jnp.int32)]).reshape(NW, NCH, B)
    dstp = jnp.concatenate([dst2, jnp.full((pad,), N, jnp.int32)]).reshape(NW, NCH, B)
    sd = jnp.stack([srcp, dstp], axis=2)

    zeros_stripe = jnp.zeros((RPS, H), jnp.float32)
    ones_rows = jnp.ones((B, H), jnp.float32)

    W1 = W_msg[:H]
    W2 = W_msg[H:]
    WihT = W_ih.T
    WhhT = W_hh.T
    bias = (b_ih + b_hh).reshape(1, 4 * H)
    gam = gamma.reshape(1, H)
    bet = beta.reshape(1, H)
    wout_pad = jnp.pad(W_out, ((0, 0), (0, H - OUT)))

    degfull = _sc_deg(sd, ones_rows, zeros_stripe)

    c0 = jnp.zeros((N, H), jnp.float32)
    hpk0 = _pack(h0)

    def step(t, hch):
        h, c, hpk = hch
        agg = _sc_agg(hpk, sd, zeros_stripe)
        h2, c2, hpk2 = _dense(h, c, agg, degfull, var_reg, W1, W2, WihT, WhhT,
                              bias, gam, bet)
        return (h2, c2, hpk2)

    h, c, _ = lax.fori_loop(0, jnp.asarray(steps, jnp.int32), step,
                            (h0, c0, hpk0))
    y = _softmax(h, wout_pad)
    return y.reshape(N, 1, OUT)

# --- scband reference (transcript-rebuilt; emitter-appended) ---
"""Pipeline reference for scband-runcsp-90443421319355 (READ-ONLY COPY).

The authoritative reference and input builder live on the scoring server;
editing this copy changes nothing except your own understanding.
"""

import jax, jax.numpy as jnp
import numpy as np

N = 10000
E = 320000
HIDDEN = 128
OUT = 3
STEPS = 8


def setup_inputs(seed: int = 0) -> dict:
    key = jax.random.key(seed)
    ks = jax.random.split(key, 10)
    edge_index = jax.random.randint(ks[0], (2, E), 0, N)
    h0 = jax.random.normal(ks[1], (N, HIDDEN), dtype=jnp.float32)
    deg = jnp.bincount(jnp.concatenate([edge_index[0], edge_index[1]]), length=N)
    var_reg = (1.0 / jnp.maximum(deg, 1).astype(jnp.float32)).reshape(N, 1)
    s = 0.05
    W_msg = jax.random.normal(ks[2], (2 * HIDDEN, HIDDEN), dtype=jnp.float32) * s
    gamma = jnp.ones((HIDDEN,), jnp.float32)
    beta = jnp.zeros((HIDDEN,), jnp.float32)
    W_ih = jax.random.normal(ks[3], (4 * HIDDEN, HIDDEN), dtype=jnp.float32) * s
    W_hh = jax.random.normal(ks[4], (4 * HIDDEN, HIDDEN), dtype=jnp.float32) * s
    b_ih = jnp.zeros((4 * HIDDEN,), jnp.float32)
    b_hh = jnp.zeros((4 * HIDDEN,), jnp.float32)
    W_out = jax.random.normal(ks[5], (HIDDEN, OUT), dtype=jnp.float32) * s
    return {"edge_index": edge_index, "h0": h0, "var_reg": var_reg, "steps": STEPS,
            "W_msg": W_msg, "gamma": gamma, "beta": beta,
            "W_ih": W_ih, "W_hh": W_hh, "b_ih": b_ih, "b_hh": b_hh, "W_out": W_out}


def reference(edge_index, h0, var_reg, steps, W_msg, gamma, beta, W_ih, W_hh, b_ih, b_hh, W_out):
    # RUNCSP forward with a single symmetric relation ("NEQ", graph coloring, domain_size=3)
    h = h0
    c = jnp.zeros((N, HIDDEN), jnp.float32)
    # Symmetric_Message_Network: edge list doubled with reversed direction
    src = jnp.concatenate([edge_index[0], edge_index[1]])
    dst = jnp.concatenate([edge_index[1], edge_index[0]])
    y0 = jnp.zeros((N, OUT), jnp.float32)

    def cond(carry):
        t, h, c, y, num_unsat = carry
        return jnp.logical_and(t < steps, num_unsat != 0)

    def body(carry):
        t, h, c, y, num_unsat = carry
        # message: gather endpoint states, linear 2H->H (no bias), scatter-sum by dst
        xcat = jnp.concatenate([h[src], h[dst]], axis=1)
        m = xcat @ W_msg
        rec = jax.ops.segment_sum(m, dst, num_segments=N)
        rec = rec * var_reg
        # BatchNorm1d (training-mode batch statistics)
        mean = jnp.mean(rec, axis=0)
        var = jnp.var(rec, axis=0)
        rec = (rec - mean) / jnp.sqrt(var + 1e-5) * gamma + beta
        # LSTMCell
        gates = rec @ W_ih.T + b_ih + h @ W_hh.T + b_hh
        i, f, g, o = jnp.split(gates, 4, axis=1)
        i = jax.nn.sigmoid(i)
        f = jax.nn.sigmoid(f)
        g = jnp.tanh(g)
        o = jax.nn.sigmoid(o)
        c = f * c + i * g
        h = o * jnp.tanh(c)
        # soft assignment: Linear(H, out_dim, bias=False) + Softmax
        y = jax.nn.softmax(h @ W_out, axis=1)
        # count_unsat for NEQ relation: hard-argmax assignment, unsat edges have equal endpoints
        assign = jnp.argmax(y, axis=1)
        num_unsat = jnp.sum(assign[edge_index[0]] == assign[edge_index[1]])
        return (t + 1, h, c, y, num_unsat)

    init = (jnp.array(0, dtype=jnp.int32), h, c, y0,
            jnp.array(1, dtype=jnp.int32))
    _, h, c, y, _ = jax.lax.while_loop(cond, body, init)
    assignments = y[:, None, :]  # [num_vars, 1, out_dim]
    return assignments

if __name__ == "__main__":
    import jax
    _d = setup_inputs()
    print(jax.jit(kernel)(*tuple(_d.values())))

</pallas_src>

<mosaic_0001>
#map = affine_map<(d0, d1) -> (0, 0, 0, 0)>
#map1 = affine_map<(d0, d1) -> (0, 0)>
#map2 = affine_map<(d0, d1) -> (0, 0, 0)>
module attributes {stable_mosaic.version = 14 : i64} {
  func.func @_sc_deg(%arg0: i32, %arg1: i32, %arg2: memref<32x160x2x128xi32, #tpu.memory_space<hbm>>, %arg3: memref<128x128xf32, #tpu.memory_space<hbm>>, %arg4: memref<632x128xf32, #tpu.memory_space<hbm>>, %arg5: memref<2x10112x128xf32, #tpu.memory_space<hbm>>, %arg6: memref<16x2x128xi32, #tpu.memory_space<vmem>>, %arg7: memref<128x128xf32, #tpu.memory_space<vmem>>, %arg8: memref<10112x128xf32, #tpu.memory_space<vmem_shared>>, %arg9: memref<!tpu.dma_semaphore, #tpu.memory_space<semaphore_mem>>) attributes {dimension_semantics = [#tpu.dimension_semantics<core_parallel>, #tpu.dimension_semantics<subcore_parallel>], iteration_bounds = array<i64: 2, 16>, scalar_prefetch = 0 : i64, scratch_operands = 4 : i64, tpu.core_type = #tpu.core_type<sc_vector_subcore>, window_params = [{transform_indices = #map}, {transform_indices = #map1}, {transform_indices = #map1}, {transform_indices = #map2}]} {
    %mul3A = arith.constant 16 : i32
    %mul3A_0 = arith.muli %arg0, %mul3A : i32
    %add3A = arith.addi %mul3A_0, %arg1 : i32
    "tpu.region"() ({
      %run_scoped3A = tpu.sem_alloc : memref<!tpu.dma_semaphore, #tpu.memory_space<semaphore_mem>>
      tpu.enqueue_dma source(%arg3 : memref<128x128xf32, #tpu.memory_space<hbm>>) target(%arg7 : memref<128x128xf32, #tpu.memory_space<vmem>>) target_semaphore(%run_scoped3A : memref<!tpu.dma_semaphore, #tpu.memory_space<semaphore_mem>>)
      tpu.wait_dma2 semaphore(%run_scoped3A : memref<!tpu.dma_semaphore, #tpu.memory_space<semaphore_mem>>) src(%arg3 : memref<128x128xf32, #tpu.memory_space<hbm>>) dst(%arg7 : memref<128x128xf32, #tpu.memory_space<vmem>>)
      tpu.yield
    }) : () -> ()
    %mul3A_1 = arith.constant 632 : i32
    %mul3A_2 = arith.muli %arg1, %mul3A_1 : i32
    "tpu.region"() ({
      %run_scoped3A = tpu.sem_alloc : memref<!tpu.dma_semaphore, #tpu.memory_space<semaphore_mem>>
      %dma_start3A = arith.constant 0 : i32
      %dma_start3A_13 = tpu.memref_slice %arg8[%mul3A_2, %dma_start3A] : memref<10112x128xf32, #tpu.memory_space<vmem_shared>> -> memref<632x128xf32, #tpu.memory_space<vmem_shared>>
      tpu.enqueue_dma source(%arg4 : memref<632x128xf32, #tpu.memory_space<hbm>>) target(%dma_start3A_13 : memref<632x128xf32, #tpu.memory_space<vmem_shared>>) target_semaphore(%run_scoped3A : memref<!tpu.dma_semaphore, #tpu.memory_space<semaphore_mem>>)
      %dma_wait3A = arith.constant 0 : i32
      %dma_wait3A_14 = tpu.memref_slice %arg8[%mul3A_2, %dma_wait3A] : memref<10112x128xf32, #tpu.memory_space<vmem_shared>> -> memref<632x128xf32, #tpu.memory_space<vmem_shared>>
      tpu.wait_dma2 semaphore(%run_scoped3A : memref<!tpu.dma_semaphore, #tpu.memory_space<semaphore_mem>>) src(%arg4 : memref<632x128xf32, #tpu.memory_space<hbm>>) dst(%dma_wait3A_14 : memref<632x128xf32, #tpu.memory_space<vmem_shared>>)
      tpu.yield
    }) : () -> ()
    %barrier3A = arith.constant 0 : index
    tpu.barrier barrier_id(%barrier3A)
    %scan3A = arith.constant 0 : i32
    %scan3A_3 = arith.constant 0 : i32
    %scan3A_4 = arith.constant 10 : i32
    %scan3A_5 = arith.addi %scan3A_3, %scan3A_4 : i32
    %scan3A_6 = arith.constant 1 : i32
    scf.for %scan3A_13 = %scan3A_3 to %scan3A_5 step %scan3A_6  : i32 {
      %mul3A_14 = arith.constant 16 : i32
      %mul3A_15 = arith.muli %scan3A_13, %mul3A_14 : i32
      "tpu.region"() ({
        %run_scoped3A = tpu.sem_alloc : memref<!tpu.dma_semaphore, #tpu.memory_space<semaphore_mem>>
        %dma_start3A = arith.constant 0 : i32
        %dma_start3A_26 = arith.constant 0 : i32
        %dma_start3A_27 = tpu.memref_slice %arg2[%add3A, %mul3A_15, %dma_start3A, %dma_start3A_26] : memref<32x160x2x128xi32, #tpu.memory_space<hbm>> -> memref<1x16x2x128xi32, #tpu.memory_space<hbm>>
        %dma_start3A_28 = tpu.memref_squeeze %dma_start3A_27 : memref<1x16x2x128xi32, #tpu.memory_space<hbm>> -> memref<16x2x128xi32, #tpu.memory_space<hbm>>
        %dma_start3A_29 = arith.constant 0 : i32
        %dma_start3A_30 = arith.constant 0 : i32
        %dma_start3A_31 = tpu.memref_slice %arg2[%add3A, %mul3A_15, %dma_start3A_29, %dma_start3A_30] : memref<32x160x2x128xi32, #tpu.memory_space<hbm>> -> memref<1x16x2x128xi32, #tpu.memory_space<hbm>>
        %dma_start3A_32 = tpu.memref_squeeze %dma_start3A_31 : memref<1x16x2x128xi32, #tpu.memory_space<hbm>> -> memref<16x2x128xi32, #tpu.memory_space<hbm>>
        tpu.enqueue_dma source(%dma_start3A_32 : memref<16x2x128xi32, #tpu.memory_space<hbm>>) target(%arg6 : memref<16x2x128xi32, #tpu.memory_space<vmem>>) target_semaphore(%run_scoped3A : memref<!tpu.dma_semaphore, #tpu.memory_space<semaphore_mem>>)
        %dma_wait3A = arith.constant 0 : i32
        %dma_wait3A_33 = arith.constant 0 : i32
        %dma_wait3A_34 = tpu.memref_slice %arg2[%add3A, %mul3A_15, %dma_wait3A, %dma_wait3A_33] : memref<32x160x2x128xi32, #tpu.memory_space<hbm>> -> memref<1x16x2x128xi32, #tpu.memory_space<hbm>>
        %dma_wait3A_35 = tpu.memref_squeeze %dma_wait3A_34 : memref<1x16x2x128xi32, #tpu.memory_space<hbm>> -> memref<16x2x128xi32, #tpu.memory_space<hbm>>
        %dma_wait3A_36 = arith.constant 0 : i32
        %dma_wait3A_37 = arith.constant 0 : i32
        %dma_wait3A_38 = tpu.memref_slice %arg2[%add3A, %mul3A_15, %dma_wait3A_36, %dma_wait3A_37] : memref<32x160x2x128xi32, #tpu.memory_space<hbm>> -> memref<1x16x2x128xi32, #tpu.memory_space<hbm>>
        %dma_wait3A_39 = tpu.memref_squeeze %dma_wait3A_38 : memref<1x16x2x128xi32, #tpu.memory_space<hbm>> -> memref<16x2x128xi32, #tpu.memory_space<hbm>>
        tpu.wait_dma2 semaphore(%run_scoped3A : memref<!tpu.dma_semaphore, #tpu.memory_space<semaphore_mem>>) src(%dma_wait3A_39 : memref<16x2x128xi32, #tpu.memory_space<hbm>>) dst(%arg6 : memref<16x2x128xi32, #tpu.memory_space<vmem>>)
        tpu.yield
      }) : () -> ()
      %scan3A_16 = arith.constant 0 : i32
      %scan3A_17 = arith.constant 16 : i32
      %scan3A_18 = arith.addi %scan3A_16, %scan3A_17 : i32
      %scan3A_19 = arith.constant 1 : i32
      scf.for %scan3A_26 = %scan3A_16 to %scan3A_18 step %scan3A_19  : i32 {
        %dma_start3A = arith.constant 1 : i32
        %dma_start3A_27 = arith.constant 0 : i32
        %dma_start3A_28 = tpu.memref_slice %arg6[%scan3A_26, %dma_start3A, %dma_start3A_27] : memref<16x2x128xi32, #tpu.memory_space<vmem>> -> memref<1x1x128xi32, #tpu.memory_space<vmem>>
        %dma_start3A_29 = tpu.memref_squeeze %dma_start3A_28 : memref<1x1x128xi32, #tpu.memory_space<vmem>> -> memref<128xi32, #tpu.memory_space<vmem>>
        %dma_start3A_30 = arith.constant 0 : i32
        %dma_start3A_31 = arith.constant 0 : i32
        %dma_start3A_32 = tpu.memref_slice %arg8[%dma_start3A_30, %dma_start3A_31] : memref<10112x128xf32, #tpu.memory_space<vmem_shared>> -> memref<10112x128xf32, #tpu.memory_space<vmem_shared>>
        tpu.enqueue_indirect_dma source(%arg7 : memref<128x128xf32, #tpu.memory_space<vmem>>) target(%dma_start3A_32 : memref<10112x128xf32, #tpu.memory_space<vmem_shared>>) offsets(%dma_start3A_29 : memref<128xi32, #tpu.memory_space<vmem>>) semaphore(%arg9 : memref<!tpu.dma_semaphore, #tpu.memory_space<semaphore_mem>>) {add = true}
      }
      %scan3A_20 = arith.constant 16 : i32
      %scan3A_21 = arith.constant 0 : i32
      %scan3A_22 = arith.constant 16 : i32
      %scan3A_23 = arith.addi %scan3A_21, %scan3A_22 : i32
      %scan3A_24 = arith.constant 1 : i32
      scf.for %scan3A_26 = %scan3A_21 to %scan3A_23 step %scan3A_24  : i32 {
        %dma_wait3A = arith.constant 1 : i32
        %dma_wait3A_27 = arith.constant 0 : i32
        %dma_wait3A_28 = tpu.memref_slice %arg6[%scan3A_26, %dma_wait3A, %dma_wait3A_27] : memref<16x2x128xi32, #tpu.memory_space<vmem>> -> memref<1x1x128xi32, #tpu.memory_space<vmem>>
        %dma_wait3A_29 = tpu.memref_squeeze %dma_wait3A_28 : memref<1x1x128xi32, #tpu.memory_space<vmem>> -> memref<128xi32, #tpu.memory_space<vmem>>
        %dma_wait3A_30 = arith.constant 0 : i32
        %dma_wait3A_31 = arith.constant 0 : i32
        %dma_wait3A_32 = tpu.memref_slice %arg8[%dma_wait3A_30, %dma_wait3A_31] : memref<10112x128xf32, #tpu.memory_space<vmem_shared>> -> memref<10112x128xf32, #tpu.memory_space<vmem_shared>>
        tpu.wait_indirect_dma semaphore(%arg9 : memref<!tpu.dma_semaphore, #tpu.memory_space<semaphore_mem>>) src(%arg7 : memref<128x128xf32, #tpu.memory_space<vmem>>) dst(%dma_wait3A_32 : memref<10112x128xf32, #tpu.memory_space<vmem_shared>>)
      }
      %scan3A_25 = arith.constant 16 : i32
    }
    %scan3A_7 = arith.constant 10 : i32
    %barrier3A_8 = arith.constant 0 : index
    tpu.barrier barrier_id(%barrier3A_8)
    %mul3A_9 = arith.constant 632 : i32
    %mul3A_10 = arith.muli %arg1, %mul3A_9 : i32
    %mul3A_11 = arith.constant 632 : i32
    %mul3A_12 = arith.muli %arg1, %mul3A_11 : i32
    "tpu.region"() ({
      %run_scoped3A = tpu.sem_alloc : memref<!tpu.dma_semaphore, #tpu.memory_space<semaphore_mem>>
      %dma_start3A = arith.constant 0 : i32
      %dma_start3A_13 = tpu.memref_slice %arg5[%arg0, %mul3A_12, %dma_start3A] : memref<2x10112x128xf32, #tpu.memory_space<hbm>> -> memref<1x632x128xf32, #tpu.memory_space<hbm>>
      %dma_start3A_14 = tpu.memref_squeeze %dma_start3A_13 : memref<1x632x128xf32, #tpu.memory_space<hbm>> -> memref<632x128xf32, #tpu.memory_space<hbm>>
      %dma_start3A_15 = arith.constant 0 : i32
      %dma_start3A_16 = tpu.memref_slice %arg8[%mul3A_10, %dma_start3A_15] : memref<10112x128xf32, #tpu.memory_space<vmem_shared>> -> memref<632x128xf32, #tpu.memory_space<vmem_shared>>
      tpu.enqueue_dma source(%dma_start3A_16 : memref<632x128xf32, #tpu.memory_space<vmem_shared>>) target(%dma_start3A_14 : memref<632x128xf32, #tpu.memory_space<hbm>>) target_semaphore(%run_scoped3A : memref<!tpu.dma_semaphore, #tpu.memory_space<semaphore_mem>>)
      %dma_wait3A = arith.constant 0 : i32
      %dma_wait3A_17 = tpu.memref_slice %arg5[%arg0, %mul3A_12, %dma_wait3A] : memref<2x10112x128xf32, #tpu.memory_space<hbm>> -> memref<1x632x128xf32, #tpu.memory_space<hbm>>
      %dma_wait3A_18 = tpu.memref_squeeze %dma_wait3A_17 : memref<1x632x128xf32, #tpu.memory_space<hbm>> -> memref<632x128xf32, #tpu.memory_space<hbm>>
      %dma_wait3A_19 = arith.constant 0 : i32
      %dma_wait3A_20 = tpu.memref_slice %arg8[%mul3A_10, %dma_wait3A_19] : memref<10112x128xf32, #tpu.memory_space<vmem_shared>> -> memref<632x128xf32, #tpu.memory_space<vmem_shared>>
      tpu.wait_dma2 semaphore(%run_scoped3A : memref<!tpu.dma_semaphore, #tpu.memory_space<semaphore_mem>>) src(%dma_wait3A_20 : memref<632x128xf32, #tpu.memory_space<vmem_shared>>) dst(%dma_wait3A_18 : memref<632x128xf32, #tpu.memory_space<hbm>>)
      tpu.yield
    }) : () -> ()
    return
  }
}

#map = affine_map<(d0, d1) -> (0, 0)>
#map1 = affine_map<(d0, d1) -> (0, 0, 0, 0)>
#map2 = affine_map<(d0, d1) -> (0, 0, 0)>
module attributes {stable_mosaic.version = 14 : i64} {
  func.func @_sc_agg(%arg0: i32, %arg1: i32, %arg2: memref<10000x64xi32, #tpu.memory_space<hbm>>, %arg3: memref<32x160x2x128xi32, #tpu.memory_space<hbm>>, %arg4: memref<632x128xf32, #tpu.memory_space<hbm>>, %arg5: memref<2x10112x128xf32, #tpu.memory_space<hbm>>, %arg6: memref<16x2x128xi32, #tpu.memory_space<vmem>>, %arg7: memref<128x64xi32, #tpu.memory_space<vmem>>, %arg8: memref<128x64xi32, #tpu.memory_space<vmem>>, %arg9: memref<128x128xf32, #tpu.memory_space<vmem>>, %arg10: memref<10112x128xf32, #tpu.memory_space<vmem_shared>>, %arg11: memref<!tpu.dma_semaphore, #tpu.memory_space<semaphore_mem>>, %arg12: memref<!tpu.dma_semaphore, #tpu.memory_space<semaphore_mem>>, %arg13: memref<!tpu.dma_semaphore, #tpu.memory_space<semaphore_mem>>) attributes {dimension_semantics = [#tpu.dimension_semantics<core_parallel>, #tpu.dimension_semantics<subcore_parallel>], iteration_bounds = array<i64: 2, 16>, scalar_prefetch = 0 : i64, scratch_operands = 8 : i64, tpu.core_type = #tpu.core_type<sc_vector_subcore>, window_params = [{transform_indices = #map}, {transform_indices = #map1}, {transform_indices = #map}, {transform_indices = #map2}]} {
    %mul3A = arith.constant 16 : i32
    %mul3A_0 = arith.muli %arg0, %mul3A : i32
    %add3A = arith.addi %mul3A_0, %arg1 : i32
    %mul3A_1 = arith.constant 632 : i32
    %mul3A_2 = arith.muli %arg1, %mul3A_1 : i32
    "tpu.region"() ({
      %run_scoped3A = tpu.sem_alloc : memref<!tpu.dma_semaphore, #tpu.memory_space<semaphore_mem>>
      %dma_start3A = arith.constant 0 : i32
      %dma_start3A_13 = tpu.memref_slice %arg10[%mul3A_2, %dma_start3A] : memref<10112x128xf32, #tpu.memory_space<vmem_shared>> -> memref<632x128xf32, #tpu.memory_space<vmem_shared>>
      tpu.enqueue_dma source(%arg4 : memref<632x128xf32, #tpu.memory_space<hbm>>) target(%dma_start3A_13 : memref<632x128xf32, #tpu.memory_space<vmem_shared>>) target_semaphore(%run_scoped3A : memref<!tpu.dma_semaphore, #tpu.memory_space<semaphore_mem>>)
      %dma_wait3A = arith.constant 0 : i32
      %dma_wait3A_14 = tpu.memref_slice %arg10[%mul3A_2, %dma_wait3A] : memref<10112x128xf32, #tpu.memory_space<vmem_shared>> -> memref<632x128xf32, #tpu.memory_space<vmem_shared>>
      tpu.wait_dma2 semaphore(%run_scoped3A : memref<!tpu.dma_semaphore, #tpu.memory_space<semaphore_mem>>) src(%arg4 : memref<632x128xf32, #tpu.memory_space<hbm>>) dst(%dma_wait3A_14 : memref<632x128xf32, #tpu.memory_space<vmem_shared>>)
      tpu.yield
    }) : () -> ()
    %barrier3A = arith.constant 0 : index
    tpu.barrier barrier_id(%barrier3A)
    %scan3A = arith.constant 0 : i32
    %scan3A_3 = arith.constant 0 : i32
    %scan3A_4 = arith.constant 10 : i32
    %scan3A_5 = arith.addi %scan3A_3, %scan3A_4 : i32
    %scan3A_6 = arith.constant 1 : i32
    scf.for %scan3A_13 = %scan3A_3 to %scan3A_5 step %scan3A_6  : i32 {
      %mul3A_14 = arith.constant 16 : i32
      %mul3A_15 = arith.muli %scan3A_13, %mul3A_14 : i32
      "tpu.region"() ({
        %run_scoped3A = tpu.sem_alloc : memref<!tpu.dma_semaphore, #tpu.memory_space<semaphore_mem>>
        %dma_start3A_43 = arith.constant 0 : i32
        %dma_start3A_44 = arith.constant 0 : i32
        %dma_start3A_45 = tpu.memref_slice %arg3[%add3A, %mul3A_15, %dma_start3A_43, %dma_start3A_44] : memref<32x160x2x128xi32, #tpu.memory_space<hbm>> -> memref<1x16x2x128xi32, #tpu.memory_space<hbm>>
        %dma_start3A_46 = tpu.memref_squeeze %dma_start3A_45 : memref<1x16x2x128xi32, #tpu.memory_space<hbm>> -> memref<16x2x128xi32, #tpu.memory_space<hbm>>
        %dma_start3A_47 = arith.constant 0 : i32
        %dma_start3A_48 = arith.constant 0 : i32
        %dma_start3A_49 = tpu.memref_slice %arg3[%add3A, %mul3A_15, %dma_start3A_47, %dma_start3A_48] : memref<32x160x2x128xi32, #tpu.memory_space<hbm>> -> memref<1x16x2x128xi32, #tpu.memory_space<hbm>>
        %dma_start3A_50 = tpu.memref_squeeze %dma_start3A_49 : memref<1x16x2x128xi32, #tpu.memory_space<hbm>> -> memref<16x2x128xi32, #tpu.memory_space<hbm>>
        tpu.enqueue_dma source(%dma_start3A_50 : memref<16x2x128xi32, #tpu.memory_space<hbm>>) target(%arg6 : memref<16x2x128xi32, #tpu.memory_space<vmem>>) target_semaphore(%run_scoped3A : memref<!tpu.dma_semaphore, #tpu.memory_space<semaphore_mem>>)
        %dma_wait3A_51 = arith.constant 0 : i32
        %dma_wait3A_52 = arith.constant 0 : i32
        %dma_wait3A_53 = tpu.memref_slice %arg3[%add3A, %mul3A_15, %dma_wait3A_51, %dma_wait3A_52] : memref<32x160x2x128xi32, #tpu.memory_space<hbm>> -> memref<1x16x2x128xi32, #tpu.memory_space<hbm>>
        %dma_wait3A_54 = tpu.memref_squeeze %dma_wait3A_53 : memref<1x16x2x128xi32, #tpu.memory_space<hbm>> -> memref<16x2x128xi32, #tpu.memory_space<hbm>>
        %dma_wait3A_55 = arith.constant 0 : i32
        %dma_wait3A_56 = arith.constant 0 : i32
        %dma_wait3A_57 = tpu.memref_slice %arg3[%add3A, %mul3A_15, %dma_wait3A_55, %dma_wait3A_56] : memref<32x160x2x128xi32, #tpu.memory_space<hbm>> -> memref<1x16x2x128xi32, #tpu.memory_space<hbm>>
        %dma_wait3A_58 = tpu.memref_squeeze %dma_wait3A_57 : memref<1x16x2x128xi32, #tpu.memory_space<hbm>> -> memref<16x2x128xi32, #tpu.memory_space<hbm>>
        tpu.wait_dma2 semaphore(%run_scoped3A : memref<!tpu.dma_semaphore, #tpu.memory_space<semaphore_mem>>) src(%dma_wait3A_58 : memref<16x2x128xi32, #tpu.memory_space<hbm>>) dst(%arg6 : memref<16x2x128xi32, #tpu.memory_space<vmem>>)
        tpu.yield
      }) : () -> ()
      %dma_start3A = arith.constant 0 : i32
      %dma_start3A_16 = arith.constant 0 : i32
      %dma_start3A_17 = arith.constant 0 : i32
      %dma_start3A_18 = tpu.memref_slice %arg6[%dma_start3A, %dma_start3A_16, %dma_start3A_17] : memref<16x2x128xi32, #tpu.memory_space<vmem>> -> memref<1x1x128xi32, #tpu.memory_space<vmem>>
      %dma_start3A_19 = tpu.memref_squeeze %dma_start3A_18 : memref<1x1x128xi32, #tpu.memory_space<vmem>> -> memref<128xi32, #tpu.memory_space<vmem>>
      %dma_start3A_20 = arith.constant 0 : i32
      %dma_start3A_21 = arith.constant 0 : i32
      %dma_start3A_22 = tpu.memref_slice %arg2[%dma_start3A_20, %dma_start3A_21] : memref<10000x64xi32, #tpu.memory_space<hbm>> -> memref<10000x64xi32, #tpu.memory_space<hbm>>
      tpu.enqueue_indirect_dma source(%dma_start3A_22 : memref<10000x64xi32, #tpu.memory_space<hbm>>) target(%arg7 : memref<128x64xi32, #tpu.memory_space<vmem>>) offsets(%dma_start3A_19 : memref<128xi32, #tpu.memory_space<vmem>>) semaphore(%arg11 : memref<!tpu.dma_semaphore, #tpu.memory_space<semaphore_mem>>)
      %dma_start3A_23 = arith.constant 1 : i32
      %dma_start3A_24 = arith.constant 0 : i32
      %dma_start3A_25 = arith.constant 0 : i32
      %dma_start3A_26 = tpu.memref_slice %arg6[%dma_start3A_23, %dma_start3A_24, %dma_start3A_25] : memref<16x2x128xi32, #tpu.memory_space<vmem>> -> memref<1x1x128xi32, #tpu.memory_space<vmem>>
      %dma_start3A_27 = tpu.memref_squeeze %dma_start3A_26 : memref<1x1x128xi32, #tpu.memory_space<vmem>> -> memref<128xi32, #tpu.memory_space<vmem>>
      %dma_start3A_28 = arith.constant 0 : i32
      %dma_start3A_29 = arith.constant 0 : i32
      %dma_start3A_30 = tpu.memref_slice %arg2[%dma_start3A_28, %dma_start3A_29] : memref<10000x64xi32, #tpu.memory_space<hbm>> -> memref<10000x64xi32, #tpu.memory_space<hbm>>
      tpu.enqueue_indirect_dma source(%dma_start3A_30 : memref<10000x64xi32, #tpu.memory_space<hbm>>) target(%arg8 : memref<128x64xi32, #tpu.memory_space<vmem>>) offsets(%dma_start3A_27 : memref<128xi32, #tpu.memory_space<vmem>>) semaphore(%arg12 : memref<!tpu.dma_semaphore, #tpu.memory_space<semaphore_mem>>)
      %scan3A_31 = arith.constant 0 : i32
      %scan3A_32 = arith.constant 8 : i32
      %scan3A_33 = arith.addi %scan3A_31, %scan3A_32 : i32
      %scan3A_34 = arith.constant 1 : i32
      scf.for %scan3A_43 = %scan3A_31 to %scan3A_33 step %scan3A_34  : i32 {
        %mul3A_44 = arith.constant 2 : i32
        %mul3A_45 = arith.muli %mul3A_44, %scan3A_43 : i32
        %add3A_46 = arith.constant 1 : i32
        %add3A_47 = arith.addi %mul3A_45, %add3A_46 : i32
        %dma_wait3A_48 = arith.constant 0 : i32
        %dma_wait3A_49 = arith.constant 0 : i32
        %dma_wait3A_50 = tpu.memref_slice %arg6[%mul3A_45, %dma_wait3A_48, %dma_wait3A_49] : memref<16x2x128xi32, #tpu.memory_space<vmem>> -> memref<1x1x128xi32, #tpu.memory_space<vmem>>
        %dma_wait3A_51 = tpu.memref_squeeze %dma_wait3A_50 : memref<1x1x128xi32, #tpu.memory_space<vmem>> -> memref<128xi32, #tpu.memory_space<vmem>>
        %dma_wait3A_52 = arith.constant 0 : i32
        %dma_wait3A_53 = arith.constant 0 : i32
        %dma_wait3A_54 = tpu.memref_slice %arg2[%dma_wait3A_52, %dma_wait3A_53] : memref<10000x64xi32, #tpu.memory_space<hbm>> -> memref<10000x64xi32, #tpu.memory_space<hbm>>
        tpu.wait_indirect_dma semaphore(%arg11 : memref<!tpu.dma_semaphore, #tpu.memory_space<semaphore_mem>>) src(%dma_wait3A_54 : memref<10000x64xi32, #tpu.memory_space<hbm>>) dst(%arg7 : memref<128x64xi32, #tpu.memory_space<vmem>>)
        %gt3A = arith.constant 0 : i32
        %gt3A_55 = arith.cmpi sgt, %scan3A_43, %gt3A : i32
        %convert_element_type3A = arith.extui %gt3A_55 : i1 to i32
        %cond3A = arith.constant 0 : i32
        %cond3A_56 = arith.cmpi ne, %convert_element_type3A, %cond3A : i32
        scf.if %cond3A_56 {
          %sub3A = arith.constant 1 : i32
          %sub3A_106 = arith.subi %mul3A_45, %sub3A : i32
          %dma_wait3A_107 = arith.constant 1 : i32
          %dma_wait3A_108 = arith.constant 0 : i32
          %dma_wait3A_109 = tpu.memref_slice %arg6[%sub3A_106, %dma_wait3A_107, %dma_wait3A_108] : memref<16x2x128xi32, #tpu.memory_space<vmem>> -> memref<1x1x128xi32, #tpu.memory_space<vmem>>
          %dma_wait3A_110 = tpu.memref_squeeze %dma_wait3A_109 : memref<1x1x128xi32, #tpu.memory_space<vmem>> -> memref<128xi32, #tpu.memory_space<vmem>>
          %dma_wait3A_111 = arith.constant 0 : i32
          %dma_wait3A_112 = arith.constant 0 : i32
          %dma_wait3A_113 = tpu.memref_slice %arg10[%dma_wait3A_111, %dma_wait3A_112] : memref<10112x128xf32, #tpu.memory_space<vmem_shared>> -> memref<10112x128xf32, #tpu.memory_space<vmem_shared>>
          tpu.wait_indirect_dma semaphore(%arg13 : memref<!tpu.dma_semaphore, #tpu.memory_space<semaphore_mem>>) src(%arg9 : memref<128x128xf32, #tpu.memory_space<vmem>>) dst(%dma_wait3A_113 : memref<10112x128xf32, #tpu.memory_space<vmem_shared>>)
        } else {
        }
        %scan3A_57 = arith.constant 0 : i32
        %scan3A_58 = arith.constant 0 : i32
        %scan3A_59 = arith.constant 128 : i32
        %scan3A_60 = arith.addi %scan3A_58, %scan3A_59 : i32
        %scan3A_61 = arith.constant 1 : i32
        scf.for %scan3A_106 = %scan3A_58 to %scan3A_60 step %scan3A_61  : i32 {
          %get3A = arith.index_cast %scan3A_106 : i32 to index
          %get3A_107 = arith.constant 0 : index
          %get3A_108 = tpu.vector_load %arg7[%get3A, %get3A_107] {strides = array<i32>} : memref<128x64xi32, #tpu.memory_space<vmem>>, vector<16xi32>,
          %bitcast3A = vector.bitcast %get3A_108 : vector<16xi32> to vector<32xbf16>
          %unpack3A = tpu.unpack_subelements %bitcast3A, 0 {pack_format = #tpu.pack_format<interleaved>} : vector<32xbf16> -> vector<16xf32>
          %unpack3A_109 = tpu.unpack_subelements %bitcast3A, 1 {pack_format = #tpu.pack_format<interleaved>} : vector<32xbf16> -> vector<16xf32>
          %swap3A = arith.index_cast %scan3A_106 : i32 to index
          %swap3A_110 = arith.constant 0 : index
          %swap3A_111 = tpu.vector_load %arg9[%swap3A, %swap3A_110] {strides = array<i32>} : memref<128x128xf32, #tpu.memory_space<vmem>>, vector<16xf32>,
          tpu.vector_store %arg9[%swap3A, %swap3A_110], %unpack3A {strides = array<i32>} : memref<128x128xf32, #tpu.memory_space<vmem>>, vector<16xf32>,
          %swap3A_112 = arith.index_cast %scan3A_106 : i32 to index
          %swap3A_113 = arith.constant 64 : index
          %swap3A_114 = tpu.vector_load %arg9[%swap3A_112, %swap3A_113] {strides = array<i32>} : memref<128x128xf32, #tpu.memory_space<vmem>>, vector<16xf32>,
          tpu.vector_store %arg9[%swap3A_112, %swap3A_113], %unpack3A_109 {strides = array<i32>} : memref<128x128xf32, #tpu.memory_space<vmem>>, vector<16xf32>,
          %get3A_115 = arith.index_cast %scan3A_106 : i32 to index
          %get3A_116 = arith.constant 16 : index
          %get3A_117 = tpu.vector_load %arg7[%get3A_115, %get3A_116] {strides = array<i32>} : memref<128x64xi32, #tpu.memory_space<vmem>>, vector<16xi32>,
          %bitcast3A_118 = vector.bitcast %get3A_117 : vector<16xi32> to vector<32xbf16>
          %unpack3A_119 = tpu.unpack_subelements %bitcast3A_118, 0 {pack_format = #tpu.pack_format<interleaved>} : vector<32xbf16> -> vector<16xf32>
          %unpack3A_120 = tpu.unpack_subelements %bitcast3A_118, 1 {pack_format = #tpu.pack_format<interleaved>} : vector<32xbf16> -> vector<16xf32>
          %swap3A_121 = arith.index_cast %scan3A_106 : i32 to index
          %swap3A_122 = arith.constant 16 : index
          %swap3A_123 = tpu.vector_load %arg9[%swap3A_121, %swap3A_122] {strides = array<i32>} : memref<128x128xf32, #tpu.memory_space<vmem>>, vector<16xf32>,
          tpu.vector_store %arg9[%swap3A_121, %swap3A_122], %unpack3A_119 {strides = array<i32>} : memref<128x128xf32, #tpu.memory_space<vmem>>, vector<16xf32>,
          %swap3A_124 = arith.index_cast %scan3A_106 : i32 to index
          %swap3A_125 = arith.constant 80 : index
          %swap3A_126 = tpu.vector_load %arg9[%swap3A_124, %swap3A_125] {strides = array<i32>} : memref<128x128xf32, #tpu.memory_space<vmem>>, vector<16xf32>,
          tpu.vector_store %arg9[%swap3A_124, %swap3A_125], %unpack3A_120 {strides = array<i32>} : memref<128x128xf32, #tpu.memory_space<vmem>>, vector<16xf32>,
          %get3A_127 = arith.index_cast %scan3A_106 : i32 to index
          %get3A_128 = arith.constant 32 : index
          %get3A_129 = tpu.vector_load %arg7[%get3A_127, %get3A_128] {strides = array<i32>} : memref<128x64xi32, #tpu.memory_space<vmem>>, vector<16xi32>,
          %bitcast3A_130 = vector.bitcast %get3A_129 : vector<16xi32> to vector<32xbf16>
          %unpack3A_131 = tpu.unpack_subelements %bitcast3A_130, 0 {pack_format = #tpu.pack_format<interleaved>} : vector<32xbf16> -> vector<16xf32>
          %unpack3A_132 = tpu.unpack_subelements %bitcast3A_130, 1 {pack_format = #tpu.pack_format<interleaved>} : vector<32xbf16> -> vector<16xf32>
          %swap3A_133 = arith.index_cast %scan3A_106 : i32 to index
          %swap3A_134 = arith.constant 32 : index
          %swap3A_135 = tpu.vector_load %arg9[%swap3A_133, %swap3A_134] {strides = array<i32>} : memref<128x128xf32, #tpu.memory_space<vmem>>, vector<16xf32>,
          tpu.vector_store %arg9[%swap3A_133, %swap3A_134], %unpack3A_131 {strides = array<i32>} : memref<128x128xf32, #tpu.memory_space<vmem>>, vector<16xf32>,
          %swap3A_136 = arith.index_cast %scan3A_106 : i32 to index
          %swap3A_137 = arith.constant 96 : index
          %swap3A_138 = tpu.vector_load %arg9[%swap3A_136, %swap3A_137] {strides = array<i32>} : memref<128x128xf32, #tpu.memory_space<vmem>>, vector<16xf32>,
          tpu.vector_store %arg9[%swap3A_136, %swap3A_137], %unpack3A_132 {strides = array<i32>} : memref<128x128xf32, #tpu.memory_space<vmem>>, vector<16xf32>,
          %get3A_139 = arith.index_cast %scan3A_106 : i32 to index
          %get3A_140 = arith.constant 48 : index
          %get3A_141 = tpu.vector_load %arg7[%get3A_139, %get3A_140] {strides = array<i32>} : memref<128x64xi32, #tpu.memory_space<vmem>>, vector<16xi32>,
          %bitcast3A_142 = vector.bitcast %get3A_141 : vector<16xi32> to vector<32xbf16>
          %unpack3A_143 = tpu.unpack_subelements %bitcast3A_142, 0 {pack_format = #tpu.pack_format<interleaved>} : vector<32xbf16> -> vector<16xf32>
          %unpack3A_144 = tpu.unpack_subelements %bitcast3A_142, 1 {pack_format = #tpu.pack_format<interleaved>} : vector<32xbf16> -> vector<16xf32>
          %swap3A_145 = arith.index_cast %scan3A_106 : i32 to index
          %swap3A_146 = arith.constant 48 : index
          %swap3A_147 = tpu.vector_load %arg9[%swap3A_145, %swap3A_146] {strides = array<i32>} : memref<128x128xf32, #tpu.memory_space<vmem>>, vector<16xf32>,
          tpu.vector_store %arg9[%swap3A_145, %swap3A_146], %unpack3A_143 {strides = array<i32>} : memref<128x128xf32, #tpu.memory_space<vmem>>, vector<16xf32>,
          %swap3A_148 = arith.index_cast %scan3A_106 : i32 to index
          %swap3A_149 = arith.constant 112 : index
          %swap3A_150 = tpu.vector_load %arg9[%swap3A_148, %swap3A_149] {strides = array<i32>} : memref<128x128xf32, #tpu.memory_space<vmem>>, vector<16xf32>,
          tpu.vector_store %arg9[%swap3A_148, %swap3A_149], %unpack3A_144 {strides = array<i32>} : memref<128x128xf32, #tpu.memory_space<vmem>>, vector<16xf32>,
        }
        %scan3A_62 = arith.constant 128 : i32
        %dma_start3A_63 = arith.constant 1 : i32
        %dma_start3A_64 = arith.constant 0 : i32
        %dma_start3A_65 = tpu.memref_slice %arg6[%mul3A_45, %dma_start3A_63, %dma_start3A_64] : memref<16x2x128xi32, #tpu.memory_space<vmem>> -> memref<1x1x128xi32, #tpu.memory_space<vmem>>
        %dma_start3A_66 = tpu.memref_squeeze %dma_start3A_65 : memref<1x1x128xi32, #tpu.memory_space<vmem>> -> memref<128xi32, #tpu.memory_space<vmem>>
        %dma_start3A_67 = arith.constant 0 : i32
        %dma_start3A_68 = arith.constant 0 : i32
        %dma_start3A_69 = tpu.memref_slice %arg10[%dma_start3A_67, %dma_start3A_68] : memref<10112x128xf32, #tpu.memory_space<vmem_shared>> -> memref<10112x128xf32, #tpu.memory_space<vmem_shared>>
        tpu.enqueue_indirect_dma source(%arg9 : memref<128x128xf32, #tpu.memory_space<vmem>>) target(%dma_start3A_69 : memref<10112x128xf32, #tpu.memory_space<vmem_shared>>) offsets(%dma_start3A_66 : memref<128xi32, #tpu.memory_space<vmem>>) semaphore(%arg13 : memref<!tpu.dma_semaphore, #tpu.memory_space<semaphore_mem>>) {add = true}
        %lt3A = arith.constant 7 : i32
        %lt3A_70 = arith.cmpi slt, %scan3A_43, %lt3A : i32
        %convert_element_type3A_71 = arith.extui %lt3A_70 : i1 to i32
        %cond3A_72 = arith.constant 0 : i32
        %cond3A_73 = arith.cmpi ne, %convert_element_type3A_71, %cond3A_72 : i32
        scf.if %cond3A_73 {
          %add3A_106 = arith.constant 2 : i32
          %add3A_107 = arith.addi %mul3A_45, %add3A_106 : i32
          %dma_start3A_108 = arith.constant 0 : i32
          %dma_start3A_109 = arith.constant 0 : i32
          %dma_start3A_110 = tpu.memref_slice %arg6[%add3A_107, %dma_start3A_108, %dma_start3A_109] : memref<16x2x128xi32, #tpu.memory_space<vmem>> -> memref<1x1x128xi32, #tpu.memory_space<vmem>>
          %dma_start3A_111 = tpu.memref_squeeze %dma_start3A_110 : memref<1x1x128xi32, #tpu.memory_space<vmem>> -> memref<128xi32, #tpu.memory_space<vmem>>
          %dma_start3A_112 = arith.constant 0 : i32
          %dma_start3A_113 = arith.constant 0 : i32
          %dma_start3A_114 = tpu.memref_slice %arg2[%dma_start3A_112, %dma_start3A_113] : memref<10000x64xi32, #tpu.memory_space<hbm>> -> memref<10000x64xi32, #tpu.memory_space<hbm>>
          tpu.enqueue_indirect_dma source(%dma_start3A_114 : memref<10000x64xi32, #tpu.memory_space<hbm>>) target(%arg7 : memref<128x64xi32, #tpu.memory_space<vmem>>) offsets(%dma_start3A_111 : memref<128xi32, #tpu.memory_space<vmem>>) semaphore(%arg11 : memref<!tpu.dma_semaphore, #tpu.memory_space<semaphore_mem>>)
        } else {
        }
        %dma_wait3A_74 = arith.constant 0 : i32
        %dma_wait3A_75 = arith.constant 0 : i32
        %dma_wait3A_76 = tpu.memref_slice %arg6[%add3A_47, %dma_wait3A_74, %dma_wait3A_75] : memref<16x2x128xi32, #tpu.memory_space<vmem>> -> memref<1x1x128xi32, #tpu.memory_space<vmem>>
        %dma_wait3A_77 = tpu.memref_squeeze %dma_wait3A_76 : memref<1x1x128xi32, #tpu.memory_space<vmem>> -> memref<128xi32, #tpu.memory_space<vmem>>
        %dma_wait3A_78 = arith.constant 0 : i32
        %dma_wait3A_79 = arith.constant 0 : i32
        %dma_wait3A_80 = tpu.memref_slice %arg2[%dma_wait3A_78, %dma_wait3A_79] : memref<10000x64xi32, #tpu.memory_space<hbm>> -> memref<10000x64xi32, #tpu.memory_space<hbm>>
        tpu.wait_indirect_dma semaphore(%arg12 : memref<!tpu.dma_semaphore, #tpu.memory_space<semaphore_mem>>) src(%dma_wait3A_80 : memref<10000x64xi32, #tpu.memory_space<hbm>>) dst(%arg8 : memref<128x64xi32, #tpu.memory_space<vmem>>)
        %dma_wait3A_81 = arith.constant 1 : i32
        %dma_wait3A_82 = arith.constant 0 : i32
        %dma_wait3A_83 = tpu.memref_slice %arg6[%mul3A_45, %dma_wait3A_81, %dma_wait3A_82] : memref<16x2x128xi32, #tpu.memory_space<vmem>> -> memref<1x1x128xi32, #tpu.memory_space<vmem>>
        %dma_wait3A_84 = tpu.memref_squeeze %dma_wait3A_83 : memref<1x1x128xi32, #tpu.memory_space<vmem>> -> memref<128xi32, #tpu.memory_space<vmem>>
        %dma_wait3A_85 = arith.constant 0 : i32
        %dma_wait3A_86 = arith.constant 0 : i32
        %dma_wait3A_87 = tpu.memref_slice %arg10[%dma_wait3A_85, %dma_wait3A_86] : memref<10112x128xf32, #tpu.memory_space<vmem_shared>> -> memref<10112x128xf32, #tpu.memory_space<vmem_shared>>
        tpu.wait_indirect_dma semaphore(%arg13 : memref<!tpu.dma_semaphore, #tpu.memory_space<semaphore_mem>>) src(%arg9 : memref<128x128xf32, #tpu.memory_space<vmem>>) dst(%dma_wait3A_87 : memref<10112x128xf32, #tpu.memory_space<vmem_shared>>)
        %scan3A_88 = arith.constant 0 : i32
        %scan3A_89 = arith.constant 0 : i32
        %scan3A_90 = arith.constant 128 : i32
        %scan3A_91 = arith.addi %scan3A_89, %scan3A_90 : i32
        %scan3A_92 = arith.constant 1 : i32
        scf.for %scan3A_106 = %scan3A_89 to %scan3A_91 step %scan3A_92  : i32 {
          %get3A = arith.index_cast %scan3A_106 : i32 to index
          %get3A_107 = arith.constant 0 : index
          %get3A_108 = tpu.vector_load %arg8[%get3A, %get3A_107] {strides = array<i32>} : memref<128x64xi32, #tpu.memory_space<vmem>>, vector<16xi32>,
          %bitcast3A = vector.bitcast %get3A_108 : vector<16xi32> to vector<32xbf16>
          %unpack3A = tpu.unpack_subelements %bitcast3A, 0 {pack_format = #tpu.pack_format<interleaved>} : vector<32xbf16> -> vector<16xf32>
          %unpack3A_109 = tpu.unpack_subelements %bitcast3A, 1 {pack_format = #tpu.pack_format<interleaved>} : vector<32xbf16> -> vector<16xf32>
          %swap3A = arith.index_cast %scan3A_106 : i32 to index
          %swap3A_110 = arith.constant 0 : index
          %swap3A_111 = tpu.vector_load %arg9[%swap3A, %swap3A_110] {strides = array<i32>} : memref<128x128xf32, #tpu.memory_space<vmem>>, vector<16xf32>,
          tpu.vector_store %arg9[%swap3A, %swap3A_110], %unpack3A {strides = array<i32>} : memref<128x128xf32, #tpu.memory_space<vmem>>, vector<16xf32>,
          %swap3A_112 = arith.index_cast %scan3A_106 : i32 to index
          %swap3A_113 = arith.constant 64 : index
          %swap3A_114 = tpu.vector_load %arg9[%swap3A_112, %swap3A_113] {strides = array<i32>} : memref<128x128xf32, #tpu.memory_space<vmem>>, vector<16xf32>,
          tpu.vector_store %arg9[%swap3A_112, %swap3A_113], %unpack3A_109 {strides = array<i32>} : memref<128x128xf32, #tpu.memory_space<vmem>>, vector<16xf32>,
          %get3A_115 = arith.index_cast %scan3A_106 : i32 to index
          %get3A_116 = arith.constant 16 : index
          %get3A_117 = tpu.vector_load %arg8[%get3A_115, %get3A_116] {strides = array<i32>} : memref<128x64xi32, #tpu.memory_space<vmem>>, vector<16xi32>,
          %bitcast3A_118 = vector.bitcast %get3A_117 : vector<16xi32> to vector<32xbf16>
          %unpack3A_119 = tpu.unpack_subelements %bitcast3A_118, 0 {pack_format = #tpu.pack_format<interleaved>} : vector<32xbf16> -> vector<16xf32>
          %unpack3A_120 = tpu.unpack_subelements %bitcast3A_118, 1 {pack_format = #tpu.pack_format<interleaved>} : vector<32xbf16> -> vector<16xf32>
          %swap3A_121 = arith.index_cast %scan3A_106 : i32 to index
          %swap3A_122 = arith.constant 16 : index
          %swap3A_123 = tpu.vector_load %arg9[%swap3A_121, %swap3A_122] {strides = array<i32>} : memref<128x128xf32, #tpu.memory_space<vmem>>, vector<16xf32>,
          tpu.vector_store %arg9[%swap3A_121, %swap3A_122], %unpack3A_119 {strides = array<i32>} : memref<128x128xf32, #tpu.memory_space<vmem>>, vector<16xf32>,
          %swap3A_124 = arith.index_cast %scan3A_106 : i32 to index
          %swap3A_125 = arith.constant 80 : index
          %swap3A_126 = tpu.vector_load %arg9[%swap3A_124, %swap3A_125] {strides = array<i32>} : memref<128x128xf32, #tpu.memory_space<vmem>>, vector<16xf32>,
          tpu.vector_store %arg9[%swap3A_124, %swap3A_125], %unpack3A_120 {strides = array<i32>} : memref<128x128xf32, #tpu.memory_space<vmem>>, vector<16xf32>,
          %get3A_127 = arith.index_cast %scan3A_106 : i32 to index
          %get3A_128 = arith.constant 32 : index
          %get3A_129 = tpu.vector_load %arg8[%get3A_127, %get3A_128] {strides = array<i32>} : memref<128x64xi32, #tpu.memory_space<vmem>>, vector<16xi32>,
          %bitcast3A_130 = vector.bitcast %get3A_129 : vector<16xi32> to vector<32xbf16>
          %unpack3A_131 = tpu.unpack_subelements %bitcast3A_130, 0 {pack_format = #tpu.pack_format<interleaved>} : vector<32xbf16> -> vector<16xf32>
          %unpack3A_132 = tpu.unpack_subelements %bitcast3A_130, 1 {pack_format = #tpu.pack_format<interleaved>} : vector<32xbf16> -> vector<16xf32>
          %swap3A_133 = arith.index_cast %scan3A_106 : i32 to index
          %swap3A_134 = arith.constant 32 : index
          %swap3A_135 = tpu.vector_load %arg9[%swap3A_133, %swap3A_134] {strides = array<i32>} : memref<128x128xf32, #tpu.memory_space<vmem>>, vector<16xf32>,
          tpu.vector_store %arg9[%swap3A_133, %swap3A_134], %unpack3A_131 {strides = array<i32>} : memref<128x128xf32, #tpu.memory_space<vmem>>, vector<16xf32>,
          %swap3A_136 = arith.index_cast %scan3A_106 : i32 to index
          %swap3A_137 = arith.constant 96 : index
          %swap3A_138 = tpu.vector_load %arg9[%swap3A_136, %swap3A_137] {strides = array<i32>} : memref<128x128xf32, #tpu.memory_space<vmem>>, vector<16xf32>,
          tpu.vector_store %arg9[%swap3A_136, %swap3A_137], %unpack3A_132 {strides = array<i32>} : memref<128x128xf32, #tpu.memory_space<vmem>>, vector<16xf32>,
          %get3A_139 = arith.index_cast %scan3A_106 : i32 to index
          %get3A_140 = arith.constant 48 : index
          %get3A_141 = tpu.vector_load %arg8[%get3A_139, %get3A_140] {strides = array<i32>} : memref<128x64xi32, #tpu.memory_space<vmem>>, vector<16xi32>,
          %bitcast3A_142 = vector.bitcast %get3A_141 : vector<16xi32> to vector<32xbf16>
          %unpack3A_143 = tpu.unpack_subelements %bitcast3A_142, 0 {pack_format = #tpu.pack_format<interleaved>} : vector<32xbf16> -> vector<16xf32>
          %unpack3A_144 = tpu.unpack_subelements %bitcast3A_142, 1 {pack_format = #tpu.pack_format<interleaved>} : vector<32xbf16> -> vector<16xf32>
          %swap3A_145 = arith.index_cast %scan3A_106 : i32 to index
          %swap3A_146 = arith.constant 48 : index
          %swap3A_147 = tpu.vector_load %arg9[%swap3A_145, %swap3A_146] {strides = array<i32>} : memref<128x128xf32, #tpu.memory_space<vmem>>, vector<16xf32>,
          tpu.vector_store %arg9[%swap3A_145, %swap3A_146], %unpack3A_143 {strides = array<i32>} : memref<128x128xf32, #tpu.memory_space<vmem>>, vector<16xf32>,
          %swap3A_148 = arith.index_cast %scan3A_106 : i32 to index
          %swap3A_149 = arith.constant 112 : index
          %swap3A_150 = tpu.vector_load %arg9[%swap3A_148, %swap3A_149] {strides = array<i32>} : memref<128x128xf32, #tpu.memory_space<vmem>>, vector<16xf32>,
          tpu.vector_store %arg9[%swap3A_148, %swap3A_149], %unpack3A_144 {strides = array<i32>} : memref<128x128xf32, #tpu.memory_space<vmem>>, vector<16xf32>,
        }
        %scan3A_93 = arith.constant 128 : i32
        %dma_start3A_94 = arith.constant 1 : i32
        %dma_start3A_95 = arith.constant 0 : i32
        %dma_start3A_96 = tpu.memref_slice %arg6[%add3A_47, %dma_start3A_94, %dma_start3A_95] : memref<16x2x128xi32, #tpu.memory_space<vmem>> -> memref<1x1x128xi32, #tpu.memory_space<vmem>>
        %dma_start3A_97 = tpu.memref_squeeze %dma_start3A_96 : memref<1x1x128xi32, #tpu.memory_space<vmem>> -> memref<128xi32, #tpu.memory_space<vmem>>
        %dma_start3A_98 = arith.constant 0 : i32
        %dma_start3A_99 = arith.constant 0 : i32
        %dma_start3A_100 = tpu.memref_slice %arg10[%dma_start3A_98, %dma_start3A_99] : memref<10112x128xf32, #tpu.memory_space<vmem_shared>> -> memref<10112x128xf32, #tpu.memory_space<vmem_shared>>
        tpu.enqueue_indirect_dma source(%arg9 : memref<128x128xf32, #tpu.memory_space<vmem>>) target(%dma_start3A_100 : memref<10112x128xf32, #tpu.memory_space<vmem_shared>>) offsets(%dma_start3A_97 : memref<128xi32, #tpu.memory_space<vmem>>) semaphore(%arg13 : memref<!tpu.dma_semaphore, #tpu.memory_space<semaphore_mem>>) {add = true}
        %lt3A_101 = arith.constant 7 : i32
        %lt3A_102 = arith.cmpi slt, %scan3A_43, %lt3A_101 : i32
        %convert_element_type3A_103 = arith.extui %lt3A_102 : i1 to i32
        %cond3A_104 = arith.constant 0 : i32
        %cond3A_105 = arith.cmpi ne, %convert_element_type3A_103, %cond3A_104 : i32
        scf.if %cond3A_105 {
          %add3A_106 = arith.constant 2 : i32
          %add3A_107 = arith.addi %add3A_47, %add3A_106 : i32
          %dma_start3A_108 = arith.constant 0 : i32
          %dma_start3A_109 = arith.constant 0 : i32
          %dma_start3A_110 = tpu.memref_slice %arg6[%add3A_107, %dma_start3A_108, %dma_start3A_109] : memref<16x2x128xi32, #tpu.memory_space<vmem>> -> memref<1x1x128xi32, #tpu.memory_space<vmem>>
          %dma_start3A_111 = tpu.memref_squeeze %dma_start3A_110 : memref<1x1x128xi32, #tpu.memory_space<vmem>> -> memref<128xi32, #tpu.memory_space<vmem>>
          %dma_start3A_112 = arith.constant 0 : i32
          %dma_start3A_113 = arith.constant 0 : i32
          %dma_start3A_114 = tpu.memref_slice %arg2[%dma_start3A_112, %dma_start3A_113] : memref<10000x64xi32, #tpu.memory_space<hbm>> -> memref<10000x64xi32, #tpu.memory_space<hbm>>
          tpu.enqueue_indirect_dma source(%dma_start3A_114 : memref<10000x64xi32, #tpu.memory_space<hbm>>) target(%arg8 : memref<128x64xi32, #tpu.memory_space<vmem>>) offsets(%dma_start3A_111 : memref<128xi32, #tpu.memory_space<vmem>>) semaphore(%arg12 : memref<!tpu.dma_semaphore, #tpu.memory_space<semaphore_mem>>)
        } else {
        }
      }
      %scan3A_35 = arith.constant 8 : i32
      %dma_wait3A = arith.constant 15 : i32
      %dma_wait3A_36 = arith.constant 1 : i32
      %dma_wait3A_37 = arith.constant 0 : i32
      %dma_wait3A_38 = tpu.memref_slice %arg6[%dma_wait3A, %dma_wait3A_36, %dma_wait3A_37] : memref<16x2x128xi32, #tpu.memory_space<vmem>> -> memref<1x1x128xi32, #tpu.memory_space<vmem>>
      %dma_wait3A_39 = tpu.memref_squeeze %dma_wait3A_38 : memref<1x1x128xi32, #tpu.memory_space<vmem>> -> memref<128xi32, #tpu.memory_space<vmem>>
      %dma_wait3A_40 = arith.constant 0 : i32
      %dma_wait3A_41 = arith.constant 0 : i32
      %dma_wait3A_42 = tpu.memref_slice %arg10[%dma_wait3A_40, %dma_wait3A_41] : memref<10112x128xf32, #tpu.memory_space<vmem_shared>> -> memref<10112x128xf32, #tpu.memory_space<vmem_shared>>
      tpu.wait_indirect_dma semaphore(%arg13 : memref<!tpu.dma_semaphore, #tpu.memory_space<semaphore_mem>>) src(%arg9 : memref<128x128xf32, #tpu.memory_space<vmem>>) dst(%dma_wait3A_42 : memref<10112x128xf32, #tpu.memory_space<vmem_shared>>)
    }
    %scan3A_7 = arith.constant 10 : i32
    %barrier3A_8 = arith.constant 0 : index
    tpu.barrier barrier_id(%barrier3A_8)
    %mul3A_9 = arith.constant 632 : i32
    %mul3A_10 = arith.muli %arg1, %mul3A_9 : i32
    %mul3A_11 = arith.constant 632 : i32
    %mul3A_12 = arith.muli %arg1, %mul3A_11 : i32
    "tpu.region"() ({
      %run_scoped3A = tpu.sem_alloc : memref<!tpu.dma_semaphore, #tpu.memory_space<semaphore_mem>>
      %dma_start3A = arith.constant 0 : i32
      %dma_start3A_13 = tpu.memref_slice %arg5[%arg0, %mul3A_12, %dma_start3A] : memref<2x10112x128xf32, #tpu.memory_space<hbm>> -> memref<1x632x128xf32, #tpu.memory_space<hbm>>
      %dma_start3A_14 = tpu.memref_squeeze %dma_start3A_13 : memref<1x632x128xf32, #tpu.memory_space<hbm>> -> memref<632x128xf32, #tpu.memory_space<hbm>>
      %dma_start3A_15 = arith.constant 0 : i32
      %dma_start3A_16 = tpu.memref_slice %arg10[%mul3A_10, %dma_start3A_15] : memref<10112x128xf32, #tpu.memory_space<vmem_shared>> -> memref<632x128xf32, #tpu.memory_space<vmem_shared>>
      tpu.enqueue_dma source(%dma_start3A_16 : memref<632x128xf32, #tpu.memory_space<vmem_shared>>) target(%dma_start3A_14 : memref<632x128xf32, #tpu.memory_space<hbm>>) target_semaphore(%run_scoped3A : memref<!tpu.dma_semaphore, #tpu.memory_space<semaphore_mem>>)
      %dma_wait3A = arith.constant 0 : i32
      %dma_wait3A_17 = tpu.memref_slice %arg5[%arg0, %mul3A_12, %dma_wait3A] : memref<2x10112x128xf32, #tpu.memory_space<hbm>> -> memref<1x632x128xf32, #tpu.memory_space<hbm>>
      %dma_wait3A_18 = tpu.memref_squeeze %dma_wait3A_17 : memref<1x632x128xf32, #tpu.memory_space<hbm>> -> memref<632x128xf32, #tpu.memory_space<hbm>>
      %dma_wait3A_19 = arith.constant 0 : i32
      %dma_wait3A_20 = tpu.memref_slice %arg10[%mul3A_10, %dma_wait3A_19] : memref<10112x128xf32, #tpu.memory_space<vmem_shared>> -> memref<632x128xf32, #tpu.memory_space<vmem_shared>>
      tpu.wait_dma2 semaphore(%run_scoped3A : memref<!tpu.dma_semaphore, #tpu.memory_space<semaphore_mem>>) src(%dma_wait3A_20 : memref<632x128xf32, #tpu.memory_space<vmem_shared>>) dst(%dma_wait3A_18 : memref<632x128xf32, #tpu.memory_space<hbm>>)
      tpu.yield
    }) : () -> ()
    return
  }
}

module attributes {stable_mosaic.version = 14 : i64} {
  func.func @_pack_body(%arg0: i32, %arg1: memref<1000x128xf32, #tpu.memory_space<vmem>>, %arg2: memref<1000x64xi32, #tpu.memory_space<vmem>>) attributes {dimension_semantics = [#tpu.dimension_semantics<arbitrary>], iteration_bounds = array<i64: 10>, scalar_prefetch = 0 : i64, scratch_operands = 0 : i64, tpu.core_type = #tpu.core_type<tc>, window_params = [{transform_indices = @transform_0, window_bounds = array<i64: 1000, 128>}, {transform_indices = @transform_1, window_bounds = array<i64: 1000, 64>}]} {
    %get3A = arith.constant 0 : index
    %get3A_0 = arith.constant 0 : index
    %get3A_1 = vector.load %arg1[%get3A, %get3A_0] : memref<1000x128xf32, #tpu.memory_space<vmem>>, vector<1000x128xf32>
    %slice3A = vector.extract_strided_slice %get3A_1 {offsets = [0, 0], sizes = [1000, 64], strides = [1, 1]} : vector<1000x128xf32> to vector<1000x64xf32>
    %convert_element_type3A = arith.truncf %slice3A : vector<1000x64xf32> to vector<1000x64xbf16>
    %slice3A_2 = vector.extract_strided_slice %get3A_1 {offsets = [0, 64], sizes = [1000, 64], strides = [1, 1]} : vector<1000x128xf32> to vector<1000x64xf32>
    %convert_element_type3A_3 = arith.truncf %slice3A_2 : vector<1000x64xf32> to vector<1000x64xbf16>
    %bitcast_convert_type3A = tpu.bitcast %convert_element_type3A : vector<1000x64xbf16> -> vector<1000x64xi16>
    %convert_element_type3A_4 = arith.extui %bitcast_convert_type3A : vector<1000x64xi16> to vector<1000x64xi32>
    %bitcast_convert_type3A_5 = tpu.bitcast %convert_element_type3A_3 : vector<1000x64xbf16> -> vector<1000x64xi16>
    %convert_element_type3A_6 = arith.extui %bitcast_convert_type3A_5 : vector<1000x64xi16> to vector<1000x64xi32>
    %shift_left3A = arith.constant 16 : i32
    %shift_left3A_7 = vector.broadcast %shift_left3A : i32 to vector<1000x64xi32>
    %shift_left3A_8 = arith.shli %convert_element_type3A_6, %shift_left3A_7 : vector<1000x64xi32>
    %or3A = arith.ori %convert_element_type3A_4, %shift_left3A_8 : vector<1000x64xi32>
    %bitcast_convert_type3A_9 = tpu.bitcast %or3A : vector<1000x64xi32> -> vector<1000x64xi32>
    %swap3A = arith.constant 0 : index
    %swap3A_10 = arith.constant 0 : index
    %swap3A_11 = vector.load %arg2[%swap3A, %swap3A_10] : memref<1000x64xi32, #tpu.memory_space<vmem>>, vector<1000x64xi32>
    tpu.vector_store %arg2[%swap3A, %swap3A_10], %bitcast_convert_type3A_9 {strides = array<i32>} : memref<1000x64xi32, #tpu.memory_space<vmem>>, vector<1000x64xi32>,
    return
  }
  func.func @transform_0(%arg0: i32) -> (i32, i32) {
    %c0_i32 = arith.constant 0 : i32
    %c0_i32_0 = arith.constant 0 : i32
    return %arg0, %c0_i32 : i32, i32
  }
  func.func @transform_1(%arg0: i32) -> (i32, i32) {
    %c0_i32 = arith.constant 0 : i32
    %c0_i32_0 = arith.constant 0 : i32
    return %arg0, %c0_i32 : i32, i32
  }
}

module attributes {stable_mosaic.version = 14 : i64} {
  func.func @_dense_body(%arg0: i32, %arg1: i32, %arg2: memref<1000x128xf32, #tpu.memory_space<vmem>>, %arg3: memref<1000x128xf32, #tpu.memory_space<vmem>>, %arg4: memref<2x1000x128xf32, #tpu.memory_space<vmem>>, %arg5: memref<2x1000x128xf32, #tpu.memory_space<vmem>>, %arg6: memref<1000x1xf32, #tpu.memory_space<vmem>>, %arg7: memref<128x128xf32, #tpu.memory_space<vmem>>, %arg8: memref<128x128xf32, #tpu.memory_space<vmem>>, %arg9: memref<128x512xf32, #tpu.memory_space<vmem>>, %arg10: memref<128x512xf32, #tpu.memory_space<vmem>>, %arg11: memref<1x512xf32, #tpu.memory_space<vmem>>, %arg12: memref<1x128xf32, #tpu.memory_space<vmem>>, %arg13: memref<1x128xf32, #tpu.memory_space<vmem>>, %arg14: memref<1000x128xf32, #tpu.memory_space<vmem>>, %arg15: memref<1000x128xf32, #tpu.memory_space<vmem>>, %arg16: memref<1000x64xi32, #tpu.memory_space<vmem>>, %arg17: memref<10000x128xf32, #tpu.memory_space<vmem>>, %arg18: memref<2x128xf32, #tpu.memory_space<vmem>>) attributes {dimension_semantics = [#tpu.dimension_semantics<arbitrary>, #tpu.dimension_semantics<arbitrary>], iteration_bounds = array<i64: 2, 10>, scalar_prefetch = 0 : i64, scratch_operands = 2 : i64, tpu.core_type = #tpu.core_type<tc>, window_params = [{transform_indices = @transform_0, window_bounds = array<i64: 1000, 128>}, {transform_indices = @transform_1, window_bounds = array<i64: 1000, 128>}, {transform_indices = @transform_2, window_bounds = array<i64: 2, 1000, 128>}, {transform_indices = @transform_3, window_bounds = array<i64: 2, 1000, 128>}, {transform_indices = @transform_4, window_bounds = array<i64: 1000, 1>}, {pipeline_mode = #tpu.pipeline_mode<synchronous>, transform_indices = @transform_5, window_bounds = array<i64: 128, 128>}, {pipeline_mode = #tpu.pipeline_mode<synchronous>, transform_indices = @transform_6, window_bounds = array<i64: 128, 128>}, {pipeline_mode = #tpu.pipeline_mode<synchronous>, transform_indices = @transform_7, window_bounds = array<i64: 128, 512>}, {pipeline_mode = #tpu.pipeline_mode<synchronous>, transform_indices = @transform_8, window_bounds = array<i64: 128, 512>}, {pipeline_mode = #tpu.pipeline_mode<synchronous>, transform_indices = @transform_9, window_bounds = array<i64: 1, 512>}, {pipeline_mode = #tpu.pipeline_mode<synchronous>, transform_indices = @transform_10, window_bounds = array<i64: 1, 128>}, {pipeline_mode = #tpu.pipeline_mode<synchronous>, transform_indices = @transform_11, window_bounds = array<i64: 1, 128>}, {transform_indices = @transform_12, window_bounds = array<i64: 1000, 128>}, {transform_indices = @transform_13, window_bounds = array<i64: 1000, 128>}, {transform_indices = @transform_14, window_bounds = array<i64: 1000, 64>}]} {
    %eq3A = arith.constant 0 : i32
    %eq3A_0 = arith.cmpi eq, %arg0, %eq3A : i32
    %convert_element_type3A = arith.extui %eq3A_0 : i1 to i32
    %cond3A = arith.constant 0 : i32
    %cond3A_1 = arith.cmpi ne, %convert_element_type3A, %cond3A : i32
    scf.if %cond3A_1 {
      %get3A = arith.constant 0 : index
      %get3A_7 = arith.constant 0 : index
      %get3A_8 = arith.constant 0 : index
      %get3A_9 = vector.load %arg4[%get3A, %get3A_7, %get3A_8] : memref<2x1000x128xf32, #tpu.memory_space<vmem>>, vector<1x1000x128xf32>
      %get3A_10 = vector.shape_cast %get3A_9 : vector<1x1000x128xf32> to vector<1000x128xf32>
      %get3A_11 = arith.constant 1 : index
      %get3A_12 = arith.constant 0 : index
      %get3A_13 = arith.constant 0 : index
      %get3A_14 = vector.load %arg4[%get3A_11, %get3A_12, %get3A_13] : memref<2x1000x128xf32, #tpu.memory_space<vmem>>, vector<1x1000x128xf32>
      %get3A_15 = vector.shape_cast %get3A_14 : vector<1x1000x128xf32> to vector<1000x128xf32>
      %add3A = arith.addf %get3A_10, %get3A_15 : vector<1000x128xf32>
      %get3A_16 = arith.constant 0 : index
      %get3A_17 = arith.constant 0 : index
      %get3A_18 = arith.constant 0 : index
      %get3A_19 = vector.load %arg5[%get3A_16, %get3A_17, %get3A_18] : memref<2x1000x128xf32, #tpu.memory_space<vmem>>, vector<1x1000x128xf32>
      %get3A_20 = vector.shape_cast %get3A_19 : vector<1x1000x128xf32> to vector<1000x128xf32>
      %slice3A = vector.extract_strided_slice %get3A_20 {offsets = [0, 0], sizes = [1000, 1], strides = [1, 1]} : vector<1000x128xf32> to vector<1000x1xf32>
      %get3A_21 = arith.constant 1 : index
      %get3A_22 = arith.constant 0 : index
      %get3A_23 = arith.constant 0 : index
      %get3A_24 = vector.load %arg5[%get3A_21, %get3A_22, %get3A_23] : memref<2x1000x128xf32, #tpu.memory_space<vmem>>, vector<1x1000x128xf32>
      %get3A_25 = vector.shape_cast %get3A_24 : vector<1x1000x128xf32> to vector<1000x128xf32>
      %slice3A_26 = vector.extract_strided_slice %get3A_25 {offsets = [0, 0], sizes = [1000, 1], strides = [1, 1]} : vector<1000x128xf32> to vector<1000x1xf32>
      %add3A_27 = arith.addf %slice3A, %slice3A_26 : vector<1000x1xf32>
      %get3A_28 = arith.constant 0 : index
      %get3A_29 = arith.constant 0 : index
      %get3A_30 = vector.load %arg7[%get3A_28, %get3A_29] : memref<128x128xf32, #tpu.memory_space<vmem>>, vector<128x128xf32>
      %dot_general3A = arith.constant dense<0.000000e+00> : vector<1000x128xf32>
      %dot_general3A_31 = tpu.matmul %add3A, %get3A_30, %dot_general3A {dimension_numbers = #tpu.dot_dimension_numbers<[1], [0], [0], [1], [0, 0, 1, 1], [], []>, transpose_lhs_hint = false} : vector<1000x128xf32>, vector<128x128xf32>, vector<1000x128xf32> -> vector<1000x128xf32>
      %get3A_32 = arith.constant 0 : index
      %get3A_33 = arith.constant 0 : index
      %get3A_34 = vector.load %arg2[%get3A_32, %get3A_33] : memref<1000x128xf32, #tpu.memory_space<vmem>>, vector<1000x128xf32>
      %mul3A = vector.broadcast %add3A_27 : vector<1000x1xf32> to vector<1000x128xf32>
      %mul3A_35 = arith.mulf %get3A_34, %mul3A : vector<1000x128xf32>
      %get3A_36 = arith.constant 0 : index
      %get3A_37 = arith.constant 0 : index
      %get3A_38 = vector.load %arg8[%get3A_36, %get3A_37] : memref<128x128xf32, #tpu.memory_space<vmem>>, vector<128x128xf32>
      %dot_general3A_39 = arith.constant dense<0.000000e+00> : vector<1000x128xf32>
      %dot_general3A_40 = tpu.matmul %mul3A_35, %get3A_38, %dot_general3A_39 {dimension_numbers = #tpu.dot_dimension_numbers<[1], [0], [0], [1], [0, 0, 1, 1], [], []>, transpose_lhs_hint = false} : vector<1000x128xf32>, vector<128x128xf32>, vector<1000x128xf32> -> vector<1000x128xf32>
      %add3A_41 = arith.addf %dot_general3A_31, %dot_general3A_40 : vector<1000x128xf32>
      %get3A_42 = arith.constant 0 : index
      %get3A_43 = arith.constant 0 : index
      %get3A_44 = vector.load %arg6[%get3A_42, %get3A_43] : memref<1000x1xf32, #tpu.memory_space<vmem>>, vector<1000x1xf32>
      %mul3A_45 = vector.broadcast %get3A_44 : vector<1000x1xf32> to vector<1000x128xf32>
      %mul3A_46 = arith.mulf %add3A_41, %mul3A_45 : vector<1000x128xf32>
      %mul3A_47 = arith.constant 1000 : i32
      %mul3A_48 = arith.muli %arg1, %mul3A_47 : i32
      %swap3A = arith.index_cast %mul3A_48 : i32 to index
      %swap3A_49 = arith.constant 0 : index
      %swap3A_50 = vector.load %arg17[%swap3A, %swap3A_49] : memref<10000x128xf32, #tpu.memory_space<vmem>>, vector<1000x128xf32>
      tpu.vector_store %arg17[%swap3A, %swap3A_49], %mul3A_46 {strides = array<i32>} : memref<10000x128xf32, #tpu.memory_space<vmem>>, vector<1000x128xf32>,
      %reduce_sum3A = arith.constant dense<0.000000e+00> : vector<128xf32>
      %reduce_sum3A_51 = vector.multi_reduction <add>, %mul3A_46, %reduce_sum3A [0] : vector<1000x128xf32> to vector<128xf32>
      %broadcast_in_dim3A = vector.shape_cast %reduce_sum3A_51 : vector<128xf32> to vector<1x128xf32>
      %mul3A_52 = arith.mulf %mul3A_46, %mul3A_46 : vector<1000x128xf32>
      %reduce_sum3A_53 = arith.constant dense<0.000000e+00> : vector<128xf32>
      %reduce_sum3A_54 = vector.multi_reduction <add>, %mul3A_52, %reduce_sum3A_53 [0] : vector<1000x128xf32> to vector<128xf32>
      %broadcast_in_dim3A_55 = vector.shape_cast %reduce_sum3A_54 : vector<128xf32> to vector<1x128xf32>
      %eq3A_56 = arith.constant 0 : i32
      %eq3A_57 = arith.cmpi eq, %arg1, %eq3A_56 : i32
      %convert_element_type3A_58 = arith.extui %eq3A_57 : i1 to i32
      %cond3A_59 = arith.constant 0 : i32
      %cond3A_60 = arith.cmpi ne, %convert_element_type3A_58, %cond3A_59 : i32
      scf.if %cond3A_60 {
        %swap3A_65 = arith.constant 0 : index
        %swap3A_66 = arith.constant 0 : index
        %swap3A_67 = vector.load %arg18[%swap3A_65, %swap3A_66] : memref<2x128xf32, #tpu.memory_space<vmem>>, vector<1x128xf32>
        tpu.vector_store %arg18[%swap3A_65, %swap3A_66], %broadcast_in_dim3A {strides = array<i32>} : memref<2x128xf32, #tpu.memory_space<vmem>>, vector<1x128xf32>,
        %swap3A_68 = arith.constant 1 : index
        %swap3A_69 = arith.constant 0 : index
        %swap3A_70 = vector.load %arg18[%swap3A_68, %swap3A_69] : memref<2x128xf32, #tpu.memory_space<vmem>>, vector<1x128xf32>
        tpu.vector_store %arg18[%swap3A_68, %swap3A_69], %broadcast_in_dim3A_55 {strides = array<i32>} : memref<2x128xf32, #tpu.memory_space<vmem>>, vector<1x128xf32>,
      } else {
      }
      %gt3A = arith.constant 0 : i32
      %gt3A_61 = arith.cmpi sgt, %arg1, %gt3A : i32
      %convert_element_type3A_62 = arith.extui %gt3A_61 : i1 to i32
      %cond3A_63 = arith.constant 0 : i32
      %cond3A_64 = arith.cmpi ne, %convert_element_type3A_62, %cond3A_63 : i32
      scf.if %cond3A_64 {
        %get3A_65 = arith.constant 0 : index
        %get3A_66 = arith.constant 0 : index
        %get3A_67 = vector.load %arg18[%get3A_65, %get3A_66] : memref<2x128xf32, #tpu.memory_space<vmem>>, vector<1x128xf32>
        %add3A_68 = arith.addf %get3A_67, %broadcast_in_dim3A : vector<1x128xf32>
        %swap3A_69 = arith.constant 0 : index
        %swap3A_70 = arith.constant 0 : index
        %swap3A_71 = vector.load %arg18[%swap3A_69, %swap3A_70] : memref<2x128xf32, #tpu.memory_space<vmem>>, vector<1x128xf32>
        tpu.vector_store %arg18[%swap3A_69, %swap3A_70], %add3A_68 {strides = array<i32>} : memref<2x128xf32, #tpu.memory_space<vmem>>, vector<1x128xf32>,
        %get3A_72 = arith.constant 1 : index
        %get3A_73 = arith.constant 0 : index
        %get3A_74 = vector.load %arg18[%get3A_72, %get3A_73] : memref<2x128xf32, #tpu.memory_space<vmem>>, vector<1x128xf32>
        %add3A_75 = arith.addf %get3A_74, %broadcast_in_dim3A_55 : vector<1x128xf32>
        %swap3A_76 = arith.constant 1 : index
        %swap3A_77 = arith.constant 0 : index
        %swap3A_78 = vector.load %arg18[%swap3A_76, %swap3A_77] : memref<2x128xf32, #tpu.memory_space<vmem>>, vector<1x128xf32>
        tpu.vector_store %arg18[%swap3A_76, %swap3A_77], %add3A_75 {strides = array<i32>} : memref<2x128xf32, #tpu.memory_space<vmem>>, vector<1x128xf32>,
      } else {
      }
    } else {
    }
    %eq3A_2 = arith.constant 1 : i32
    %eq3A_3 = arith.cmpi eq, %arg0, %eq3A_2 : i32
    %convert_element_type3A_4 = arith.extui %eq3A_3 : i1 to i32
    %cond3A_5 = arith.constant 0 : i32
    %cond3A_6 = arith.cmpi ne, %convert_element_type3A_4, %cond3A_5 : i32
    scf.if %cond3A_6 {
      %get3A = arith.constant 0 : index
      %get3A_7 = arith.constant 0 : index
      %get3A_8 = vector.load %arg18[%get3A, %get3A_7] : memref<2x128xf32, #tpu.memory_space<vmem>>, vector<1x128xf32>
      %mul3A = arith.constant 9.99999974E-5 : f32
      %mul3A_9 = vector.broadcast %mul3A : f32 to vector<1x128xf32>
      %mul3A_10 = arith.mulf %get3A_8, %mul3A_9 : vector<1x128xf32>
      %get3A_11 = arith.constant 1 : index
      %get3A_12 = arith.constant 0 : index
      %get3A_13 = vector.load %arg18[%get3A_11, %get3A_12] : memref<2x128xf32, #tpu.memory_space<vmem>>, vector<1x128xf32>
      %mul3A_14 = arith.constant 9.99999974E-5 : f32
      %mul3A_15 = vector.broadcast %mul3A_14 : f32 to vector<1x128xf32>
      %mul3A_16 = arith.mulf %get3A_13, %mul3A_15 : vector<1x128xf32>
      %mul3A_17 = arith.mulf %mul3A_10, %mul3A_10 : vector<1x128xf32>
      %sub3A = arith.subf %mul3A_16, %mul3A_17 : vector<1x128xf32>
      %add3A = arith.constant 9.99999974E-6 : f32
      %add3A_18 = vector.broadcast %add3A : f32 to vector<1x128xf32>
      %add3A_19 = arith.addf %sub3A, %add3A_18 : vector<1x128xf32>
      %rsqrt3A = math.rsqrt %add3A_19 : vector<1x128xf32>
      %get3A_20 = arith.constant 0 : index
      %get3A_21 = arith.constant 0 : index
      %get3A_22 = vector.load %arg12[%get3A_20, %get3A_21] : memref<1x128xf32, #tpu.memory_space<vmem>>, vector<1x128xf32>
      %mul3A_23 = arith.mulf %rsqrt3A, %get3A_22 : vector<1x128xf32>
      %mul3A_24 = arith.constant 1000 : i32
      %mul3A_25 = arith.muli %arg1, %mul3A_24 : i32
      %get3A_26 = arith.index_cast %mul3A_25 : i32 to index
      %get3A_27 = arith.constant 0 : index
      %get3A_28 = vector.load %arg17[%get3A_26, %get3A_27] : memref<10000x128xf32, #tpu.memory_space<vmem>>, vector<1000x128xf32>
      %sub3A_29 = vector.broadcast %mul3A_10 : vector<1x128xf32> to vector<1000x128xf32>
      %sub3A_30 = arith.subf %get3A_28, %sub3A_29 : vector<1000x128xf32>
      %mul3A_31 = vector.broadcast %mul3A_23 : vector<1x128xf32> to vector<1000x128xf32>
      %mul3A_32 = arith.mulf %sub3A_30, %mul3A_31 : vector<1000x128xf32>
      %get3A_33 = arith.constant 0 : index
      %get3A_34 = arith.constant 0 : index
      %get3A_35 = vector.load %arg13[%get3A_33, %get3A_34] : memref<1x128xf32, #tpu.memory_space<vmem>>, vector<1x128xf32>
      %add3A_36 = vector.broadcast %get3A_35 : vector<1x128xf32> to vector<1000x128xf32>
      %add3A_37 = arith.addf %mul3A_32, %add3A_36 : vector<1000x128xf32>
      %get3A_38 = arith.constant 0 : index
      %get3A_39 = arith.constant 0 : index
      %get3A_40 = vector.load %arg9[%get3A_38, %get3A_39] : memref<128x512xf32, #tpu.memory_space<vmem>>, vector<128x512xf32>
      %dot_general3A = arith.constant dense<0.000000e+00> : vector<1000x512xf32>
      %dot_general3A_41 = tpu.matmul %add3A_37, %get3A_40, %dot_general3A {dimension_numbers = #tpu.dot_dimension_numbers<[1], [0], [0], [1], [0, 0, 1, 1], [], []>, transpose_lhs_hint = false} : vector<1000x128xf32>, vector<128x512xf32>, vector<1000x512xf32> -> vector<1000x512xf32>
      %get3A_42 = arith.constant 0 : index
      %get3A_43 = arith.constant 0 : index
      %get3A_44 = vector.load %arg2[%get3A_42, %get3A_43] : memref<1000x128xf32, #tpu.memory_space<vmem>>, vector<1000x128xf32>
      %get3A_45 = arith.constant 0 : index
      %get3A_46 = arith.constant 0 : index
      %get3A_47 = vector.load %arg10[%get3A_45, %get3A_46] : memref<128x512xf32, #tpu.memory_space<vmem>>, vector<128x512xf32>
      %dot_general3A_48 = arith.constant dense<0.000000e+00> : vector<1000x512xf32>
      %dot_general3A_49 = tpu.matmul %get3A_44, %get3A_47, %dot_general3A_48 {dimension_numbers = #tpu.dot_dimension_numbers<[1], [0], [0], [1], [0, 0, 1, 1], [], []>, transpose_lhs_hint = false} : vector<1000x128xf32>, vector<128x512xf32>, vector<1000x512xf32> -> vector<1000x512xf32>
      %add3A_50 = arith.addf %dot_general3A_41, %dot_general3A_49 : vector<1000x512xf32>
      %get3A_51 = arith.constant 0 : index
      %get3A_52 = arith.constant 0 : index
      %get3A_53 = vector.load %arg11[%get3A_51, %get3A_52] : memref<1x512xf32, #tpu.memory_space<vmem>>, vector<1x512xf32>
      %add3A_54 = vector.broadcast %get3A_53 : vector<1x512xf32> to vector<1000x512xf32>
      %add3A_55 = arith.addf %add3A_50, %add3A_54 : vector<1000x512xf32>
      %slice3A = vector.extract_strided_slice %add3A_55 {offsets = [0, 0], sizes = [1000, 128], strides = [1, 1]} : vector<1000x512xf32> to vector<1000x128xf32>
      %logistic3A = arith.negf %slice3A : vector<1000x128xf32>
      %logistic3A_56 = math.exp %logistic3A : vector<1000x128xf32>
      %logistic3A_57 = arith.constant 1.000000e+00 : f32
      %logistic3A_58 = vector.broadcast %logistic3A_57 : f32 to vector<1000x128xf32>
      %logistic3A_59 = arith.addf %logistic3A_58, %logistic3A_56 : vector<1000x128xf32>
      %logistic3A_60 = arith.divf %logistic3A_58, %logistic3A_59 : vector<1000x128xf32>
      %slice3A_61 = vector.extract_strided_slice %add3A_55 {offsets = [0, 128], sizes = [1000, 128], strides = [1, 1]} : vector<1000x512xf32> to vector<1000x128xf32>
      %logistic3A_62 = arith.negf %slice3A_61 : vector<1000x128xf32>
      %logistic3A_63 = math.exp %logistic3A_62 : vector<1000x128xf32>
      %logistic3A_64 = arith.constant 1.000000e+00 : f32
      %logistic3A_65 = vector.broadcast %logistic3A_64 : f32 to vector<1000x128xf32>
      %logistic3A_66 = arith.addf %logistic3A_65, %logistic3A_63 : vector<1000x128xf32>
      %logistic3A_67 = arith.divf %logistic3A_65, %logistic3A_66 : vector<1000x128xf32>
      %slice3A_68 = vector.extract_strided_slice %add3A_55 {offsets = [0, 256], sizes = [1000, 128], strides = [1, 1]} : vector<1000x512xf32> to vector<1000x128xf32>
      %tanh3A = math.tanh %slice3A_68 : vector<1000x128xf32>
      %slice3A_69 = vector.extract_strided_slice %add3A_55 {offsets = [0, 384], sizes = [1000, 128], strides = [1, 1]} : vector<1000x512xf32> to vector<1000x128xf32>
      %logistic3A_70 = arith.negf %slice3A_69 : vector<1000x128xf32>
      %logistic3A_71 = math.exp %logistic3A_70 : vector<1000x128xf32>
      %logistic3A_72 = arith.constant 1.000000e+00 : f32
      %logistic3A_73 = vector.broadcast %logistic3A_72 : f32 to vector<1000x128xf32>
      %logistic3A_74 = arith.addf %logistic3A_73, %logistic3A_71 : vector<1000x128xf32>
      %logistic3A_75 = arith.divf %logistic3A_73, %logistic3A_74 : vector<1000x128xf32>
      %get3A_76 = arith.constant 0 : index
      %get3A_77 = arith.constant 0 : index
      %get3A_78 = vector.load %arg3[%get3A_76, %get3A_77] : memref<1000x128xf32, #tpu.memory_space<vmem>>, vector<1000x128xf32>
      %mul3A_79 = arith.mulf %logistic3A_67, %get3A_78 : vector<1000x128xf32>
      %mul3A_80 = arith.mulf %logistic3A_60, %tanh3A : vector<1000x128xf32>
      %add3A_81 = arith.addf %mul3A_79, %mul3A_80 : vector<1000x128xf32>
      %tanh3A_82 = math.tanh %add3A_81 : vector<1000x128xf32>
      %mul3A_83 = arith.mulf %logistic3A_75, %tanh3A_82 : vector<1000x128xf32>
      %swap3A = arith.constant 0 : index
      %swap3A_84 = arith.constant 0 : index
      %swap3A_85 = vector.load %arg15[%swap3A, %swap3A_84] : memref<1000x128xf32, #tpu.memory_space<vmem>>, vector<1000x128xf32>
      tpu.vector_store %arg15[%swap3A, %swap3A_84], %add3A_81 {strides = array<i32>} : memref<1000x128xf32, #tpu.memory_space<vmem>>, vector<1000x128xf32>,
      %swap3A_86 = arith.constant 0 : index
      %swap3A_87 = arith.constant 0 : index
      %swap3A_88 = vector.load %arg14[%swap3A_86, %swap3A_87] : memref<1000x128xf32, #tpu.memory_space<vmem>>, vector<1000x128xf32>
      tpu.vector_store %arg14[%swap3A_86, %swap3A_87], %mul3A_83 {strides = array<i32>} : memref<1000x128xf32, #tpu.memory_space<vmem>>, vector<1000x128xf32>,
      %slice3A_89 = vector.extract_strided_slice %mul3A_83 {offsets = [0, 0], sizes = [1000, 64], strides = [1, 1]} : vector<1000x128xf32> to vector<1000x64xf32>
      %convert_element_type3A_90 = arith.truncf %slice3A_89 : vector<1000x64xf32> to vector<1000x64xbf16>
      %slice3A_91 = vector.extract_strided_slice %mul3A_83 {offsets = [0, 64], sizes = [1000, 64], strides = [1, 1]} : vector<1000x128xf32> to vector<1000x64xf32>
      %convert_element_type3A_92 = arith.truncf %slice3A_91 : vector<1000x64xf32> to vector<1000x64xbf16>
      %bitcast_convert_type3A = tpu.bitcast %convert_element_type3A_90 : vector<1000x64xbf16> -> vector<1000x64xi16>
      %convert_element_type3A_93 = arith.extui %bitcast_convert_type3A : vector<1000x64xi16> to vector<1000x64xi32>
      %bitcast_convert_type3A_94 = tpu.bitcast %convert_element_type3A_92 : vector<1000x64xbf16> -> vector<1000x64xi16>
      %convert_element_type3A_95 = arith.extui %bitcast_convert_type3A_94 : vector<1000x64xi16> to vector<1000x64xi32>
      %shift_left3A = arith.constant 16 : i32
      %shift_left3A_96 = vector.broadcast %shift_left3A : i32 to vector<1000x64xi32>
      %shift_left3A_97 = arith.shli %convert_element_type3A_95, %shift_left3A_96 : vector<1000x64xi32>
      %or3A = arith.ori %convert_element_type3A_93, %shift_left3A_97 : vector<1000x64xi32>
      %bitcast_convert_type3A_98 = tpu.bitcast %or3A : vector<1000x64xi32> -> vector<1000x64xi32>
      %swap3A_99 = arith.constant 0 : index
      %swap3A_100 = arith.constant 0 : index
      %swap3A_101 = vector.load %arg16[%swap3A_99, %swap3A_100] : memref<1000x64xi32, #tpu.memory_space<vmem>>, vector<1000x64xi32>
      tpu.vector_store %arg16[%swap3A_99, %swap3A_100], %bitcast_convert_type3A_98 {strides = array<i32>} : memref<1000x64xi32, #tpu.memory_space<vmem>>, vector<1000x64xi32>,
    } else {
    }
    return
  }
  func.func @transform_0(%arg0: i32, %arg1: i32) -> (i32, i32) {
    %c0_i32 = arith.constant 0 : i32
    %c0_i32_0 = arith.constant 0 : i32
    return %arg1, %c0_i32 : i32, i32
  }
  func.func @transform_1(%arg0: i32, %arg1: i32) -> (i32, i32) {
    %c0_i32 = arith.constant 0 : i32
    %c0_i32_0 = arith.constant 0 : i32
    return %arg1, %c0_i32 : i32, i32
  }
  func.func @transform_2(%arg0: i32, %arg1: i32) -> (i32, i32, i32) {
    %c0_i32 = arith.constant 0 : i32
    %c0_i32_0 = arith.constant 0 : i32
    %c0_i32_1 = arith.constant 0 : i32
    return %c0_i32, %arg1, %c0_i32_0 : i32, i32, i32
  }
  func.func @transform_3(%arg0: i32, %arg1: i32) -> (i32, i32, i32) {
    %c0_i32 = arith.constant 0 : i32
    %c0_i32_0 = arith.constant 0 : i32
    %c0_i32_1 = arith.constant 0 : i32
    return %c0_i32, %arg1, %c0_i32_0 : i32, i32, i32
  }
  func.func @transform_4(%arg0: i32, %arg1: i32) -> (i32, i32) {
    %c0_i32 = arith.constant 0 : i32
    %c0_i32_0 = arith.constant 0 : i32
    return %arg1, %c0_i32 : i32, i32
  }
  func.func @transform_5(%arg0: i32, %arg1: i32) -> (i32, i32) {
    %c0_i32 = arith.constant 0 : i32
    %c0_i32_0 = arith.constant 0 : i32
    %c0_i32_1 = arith.constant 0 : i32
    return %c0_i32, %c0_i32_0 : i32, i32
  }
  func.func @transform_6(%arg0: i32, %arg1: i32) -> (i32, i32) {
    %c0_i32 = arith.constant 0 : i32
    %c0_i32_0 = arith.constant 0 : i32
    %c0_i32_1 = arith.constant 0 : i32
    return %c0_i32, %c0_i32_0 : i32, i32
  }
  func.func @transform_7(%arg0: i32, %arg1: i32) -> (i32, i32) {
    %c0_i32 = arith.constant 0 : i32
    %c0_i32_0 = arith.constant 0 : i32
    %c0_i32_1 = arith.constant 0 : i32
    return %c0_i32, %c0_i32_0 : i32, i32
  }
  func.func @transform_8(%arg0: i32, %arg1: i32) -> (i32, i32) {
    %c0_i32 = arith.constant 0 : i32
    %c0_i32_0 = arith.constant 0 : i32
    %c0_i32_1 = arith.constant 0 : i32
    return %c0_i32, %c0_i32_0 : i32, i32
  }
  func.func @transform_9(%arg0: i32, %arg1: i32) -> (i32, i32) {
    %c0_i32 = arith.constant 0 : i32
    %c0_i32_0 = arith.constant 0 : i32
    %c0_i32_1 = arith.constant 0 : i32
    return %c0_i32, %c0_i32_0 : i32, i32
  }
  func.func @transform_10(%arg0: i32, %arg1: i32) -> (i32, i32) {
    %c0_i32 = arith.constant 0 : i32
    %c0_i32_0 = arith.constant 0 : i32
    %c0_i32_1 = arith.constant 0 : i32
    return %c0_i32, %c0_i32_0 : i32, i32
  }
  func.func @transform_11(%arg0: i32, %arg1: i32) -> (i32, i32) {
    %c0_i32 = arith.constant 0 : i32
    %c0_i32_0 = arith.constant 0 : i32
    %c0_i32_1 = arith.constant 0 : i32
    return %c0_i32, %c0_i32_0 : i32, i32
  }
  func.func @transform_12(%arg0: i32, %arg1: i32) -> (i32, i32) {
    %c0_i32 = arith.constant 0 : i32
    %c0_i32_0 = arith.constant 0 : i32
    return %arg1, %c0_i32 : i32, i32
  }
  func.func @transform_13(%arg0: i32, %arg1: i32) -> (i32, i32) {
    %c0_i32 = arith.constant 0 : i32
    %c0_i32_0 = arith.constant 0 : i32
    return %arg1, %c0_i32 : i32, i32
  }
  func.func @transform_14(%arg0: i32, %arg1: i32) -> (i32, i32) {
    %c0_i32 = arith.constant 0 : i32
    %c0_i32_0 = arith.constant 0 : i32
    return %arg1, %c0_i32 : i32, i32
  }
}

module attributes {stable_mosaic.version = 14 : i64} {
  func.func @_softmax_body(%arg0: i32, %arg1: memref<1000x128xf32, #tpu.memory_space<vmem>>, %arg2: memref<128x128xf32, #tpu.memory_space<vmem>>, %arg3: memref<1000x3xf32, #tpu.memory_space<vmem>>) attributes {dimension_semantics = [#tpu.dimension_semantics<arbitrary>], iteration_bounds = array<i64: 10>, scalar_prefetch = 0 : i64, scratch_operands = 0 : i64, tpu.core_type = #tpu.core_type<tc>, window_params = [{transform_indices = @transform_0, window_bounds = array<i64: 1000, 128>}, {pipeline_mode = #tpu.pipeline_mode<synchronous>, transform_indices = @transform_1, window_bounds = array<i64: 128, 128>}, {transform_indices = @transform_2, window_bounds = array<i64: 1000, 3>}]} {
    %get3A = arith.constant 0 : index
    %get3A_0 = arith.constant 0 : index
    %get3A_1 = vector.load %arg1[%get3A, %get3A_0] : memref<1000x128xf32, #tpu.memory_space<vmem>>, vector<1000x128xf32>
    %get3A_2 = arith.constant 0 : index
    %get3A_3 = arith.constant 0 : index
    %get3A_4 = vector.load %arg2[%get3A_2, %get3A_3] : memref<128x128xf32, #tpu.memory_space<vmem>>, vector<128x128xf32>
    %dot_general3A = arith.constant dense<0.000000e+00> : vector<1000x128xf32>
    %dot_general3A_5 = tpu.matmul %get3A_1, %get3A_4, %dot_general3A {dimension_numbers = #tpu.dot_dimension_numbers<[1], [0], [0], [1], [0, 0, 1, 1], [], []>, transpose_lhs_hint = false} : vector<1000x128xf32>, vector<128x128xf32>, vector<1000x128xf32> -> vector<1000x128xf32>
    %iota3A = tpu.iota {dimensions = array<i32: 1>} : vector<1000x128xi32>
    %lt3A = arith.constant 3 : i32
    %lt3A_6 = vector.broadcast %lt3A : i32 to vector<1000x128xi32>
    %lt3A_7 = arith.cmpi slt, %iota3A, %lt3A_6 : vector<1000x128xi32>
    %jit3A = arith.constant 0xFF800000 : f32
    %broadcast_in_dim3A = vector.broadcast %jit3A : f32 to vector<1000x128xf32>
    %select_n3A = arith.select %lt3A_7, %dot_general3A_5, %broadcast_in_dim3A : vector<1000x128xi1>, vector<1000x128xf32>
    %reduce_max3A = arith.constant dense<0xFF800000> : vector<1000xf32>
    %reduce_max3A_8 = vector.multi_reduction <maximumf>, %select_n3A, %reduce_max3A [1] : vector<1000x128xf32> to vector<1000xf32>
    %broadcast_in_dim3A_9 = vector.shape_cast %reduce_max3A_8 : vector<1000xf32> to vector<1000x1xf32>
    %sub3A = vector.broadcast %broadcast_in_dim3A_9 : vector<1000x1xf32> to vector<1000x128xf32>
    %sub3A_10 = arith.subf %select_n3A, %sub3A : vector<1000x128xf32>
    %exp3A = math.exp %sub3A_10 : vector<1000x128xf32>
    %reduce_sum3A = arith.constant dense<0.000000e+00> : vector<1000xf32>
    %reduce_sum3A_11 = vector.multi_reduction <add>, %exp3A, %reduce_sum3A [1] : vector<1000x128xf32> to vector<1000xf32>
    %broadcast_in_dim3A_12 = vector.shape_cast %reduce_sum3A_11 : vector<1000xf32> to vector<1000x1xf32>
    %div3A = vector.broadcast %broadcast_in_dim3A_12 : vector<1000x1xf32> to vector<1000x128xf32>
    %div3A_13 = arith.divf %exp3A, %div3A : vector<1000x128xf32>
    %slice3A = vector.extract_strided_slice %div3A_13 {offsets = [0, 0], sizes = [1000, 3], strides = [1, 1]} : vector<1000x128xf32> to vector<1000x3xf32>
    %swap3A = arith.constant 0 : index
    %swap3A_14 = arith.constant 0 : index
    %swap3A_15 = vector.load %arg3[%swap3A, %swap3A_14] : memref<1000x3xf32, #tpu.memory_space<vmem>>, vector<1000x3xf32>
    tpu.vector_store %arg3[%swap3A, %swap3A_14], %slice3A {strides = array<i32>} : memref<1000x3xf32, #tpu.memory_space<vmem>>, vector<1000x3xf32>,
    return
  }
  func.func @transform_0(%arg0: i32) -> (i32, i32) {
    %c0_i32 = arith.constant 0 : i32
    %c0_i32_0 = arith.constant 0 : i32
    return %arg0, %c0_i32 : i32, i32
  }
  func.func @transform_1(%arg0: i32) -> (i32, i32) {
    %c0_i32 = arith.constant 0 : i32
    %c0_i32_0 = arith.constant 0 : i32
    %c0_i32_1 = arith.constant 0 : i32
    return %c0_i32, %c0_i32_0 : i32, i32
  }
  func.func @transform_2(%arg0: i32) -> (i32, i32) {
    %c0_i32 = arith.constant 0 : i32
    %c0_i32_0 = arith.constant 0 : i32
    return %arg0, %c0_i32 : i32, i32
  }
}

</mosaic_0001>

<sc_bundles>
// kernel: body.8.cloned.1.call-start
scs
__scs_entry_jumppad:
0x0: {  	(pc) =	sbr.rel $0x88, $3  }
0x1: {  	(tag) =	ssettag $0x0;
	lr =	simm.s32 $0x1  }
0x2: {  	[smem:$0x3F95] =	sst lr;
	_ =	strace $0xD0000000  }
0x3: {  	_ = 	snop  }
0x4: {  	_ = 	snop  }
0x5: {  	_ = 	snop  }
0x6: {  	_ = 	snop  }
0x7: {  	_ = 	snop  }
__scs_overlays_trampoline_lowered:
0x8: {  	[smem:$0x3FA4] =	sst s0  }
0x9: {  	[smem:$0x3FA5] =	sst s1  }
0xa: {  	[smem:$0x3FA6] =	sst s2  }
0xb: {  	[smem:$0x3FA7] =	sst s3  }
0xc: {  	[smem:$0x3FA8] =	sst s4  }
0xd: {  	[smem:$0x3FA9] =	sst s5  }
0xe: {  	[smem:$0x3FAA] =	sst s6  }
0xf: {  	[smem:$0x3FAB] =	sst s7  }
0x10: {  	[smem:$0x3FAC] =	sst s8  }
0x11: {  	[smem:$0x3FAD] =	sst s9;
	s0 =	simm.s32 @!p0 $0x0  }
0x12: {  	s1 =	sld [smem:$0x3F93];
	s0 =	simm.s32 @p0 $0x1  }
0x13: {  	[smem:$0x3FAE] =	sst s0;
	s0 =	simm.s32 @!p1 $0x0  }
0x14: {  	s2 =	sld [smem:$0x3F92];
	s0 =	simm.s32 @p1 $0x1  }
0x15: {  	[smem:$0x3FAF] =	sst s0;
	s0 =	simm.s32 @!p2 $0x0  }
0x16: {  	s3 =	sld [smem:$0x3FDB];
	s0 =	simm.s32 @p2 $0x1  }
0x17: {  	s4 =	simm.s32 $0x1BF5;
	[smem:$0x3FB1] =	sst s0  }
0x18: {  	s0 =	sld [smem:$0x3F94];
	_ =	swait.ge [sflag:s4], $0x0  }
0x19: {  	s7 =	sld [smem:$0x3F95]  }
0x1a: {  	s8 =	sadd.s32 $0xFFFFE003, lr  }
0x1b: {  	s9 =	sadd.s32 $0xFFFFFEF7, lr;
	s5 =	simm.s32 $0xFFFFFFFF;
	p2 =	slt.u32 s8, $0xFFFFF086  }
0x1c: {  	p1 =	slt.u32 s9, $0xF7A;
	s5 =	simm.s32 @!p2 $0x0  }
0x1d: {  	s5 =	simm.s32 @p1 $0x1;
	p0 =	seq.s32 s7, s2  }
0x1e: {  	s7 =	smul.u32 @!p0 $0xF7A, s2;
	p2 =	seq.s32 @!p0 s5, $0x0  }
0x1f: {  	s9 =	smul.u32 $0xF7A, s1;
	s8 =	simm.s32 @!p0 $0x1BF5;
	p2 =	por !p2, p0  }
0x20: {  	[sflag:s8] =	ssyncset.s32 @!p0 $0xFFFFF086;
	s6 =	sadd.s32 @!p0 s3, s7;
	s7 =	simm.s32 @!p0 $0x108  }
0x21: {  	s3 =	sadd.s32 s3, s9;
	s6 =	sadd.s32 @!p0 $0x88, s6;
	s7 =	simm.s32 @p2 $0x1082  }
0x22: {  	[simem:s7], [sflag:s8] =	dma.local @!p0 [hbm:s6], $0xF7A  }
0x23: {  	s9 =	sor.u32 $0xD0000000, s2;
	s6 =	simm.s32 $0x108;
	_ =	swait.ge @!p0 [sflag:s8], $0x0  }
0x24: {  	s3 =	sadd.s32 $0x88, s3;
	s6 =	simm.s32 @!p1 $0x1082;
	[sflag:s4] =	ssyncset.s32 $0xFFFFF086  }
0x25: {  	[simem:s6], [sflag:s4] =	dma.local [hbm:s3], $0xF7A  }
0x26: {  	[smem:$0x3F95] =	sst s1;
	(tag) =	ssettag s2;
	_ =	strace s9  }
0x27: {  	s1 =	sld [smem:$0x3FA5]  }
0x28: {  	s2 =	sld [smem:$0x3FA6]  }
0x29: {  	s4 =	sld [smem:$0x3FA8]  }
0x2a: {  	p0 =	seq.s32 s5, $0x0;
	s5 =	sld [smem:$0x3FA9]  }
0x2b: {  	s6 =	sld [smem:$0x3FAA]  }
0x2c: {  	s7 =	sld [smem:$0x3FAB]  }
0x2d: {  	s3 =	simm.s32 $0x108;
	s8 =	sld [smem:$0x3FAC]  }
0x2e: {  	s3 =	simm.s32 @!p0 $0x1082;
	s9 =	sld [smem:$0x3FAD]  }
0x2f: {  	lr =	sadd.s32 s0, s3;
	s0 =	sld [smem:$0x3FA4]  }
0x30: {  	s3 =	sld [smem:$0x3FA7]  }
0x31: {  	[smem:$0x3FB0] =	sst s10  }
0x32: {  	s10 =	sld [smem:$0x3FAE];
	_ =	sdelay $0x3  }
0x33: {  	p0 =	seq.s32 s10, $0x1;
	s10 =	sld [smem:$0x3FB0];
	_ =	sdelay $0x3  }
0x34: {  	[smem:$0x3FB0] =	sst s10  }
0x35: {  	s10 =	sld [smem:$0x3FAF];
	_ =	sdelay $0x3  }
0x36: {  	p1 =	seq.s32 s10, $0x1;
	s10 =	sld [smem:$0x3FB0];
	_ =	sdelay $0x3  }
0x37: {  	[smem:$0x3FB0] =	sst s10  }
0x38: {  	s10 =	sld [smem:$0x3FB1]  }
0x39: {  	_ = 	snop;
	(pc) =	sbr.ind lr, $3  }
0x3a: {  	_ = 	snop  }
0x3b: {  	_ = 	snop  }
0x3c: {  	p2 =	seq.s32 s10, $0x1;
	s10 =	sld [smem:$0x3FB0]  }
0x3d: {  	_ =	shalt  }
0x3e: {  	_ =	shalt  }
0x3f: {  	_ =	shalt  }
0x40: {  	_ =	shalt  }
0x41: {  	_ =	shalt  }
0x42: {  	_ =	shalt  }
0x43: {  	_ =	shalt  }
0x44: {  	_ =	shalt  }
0x45: {  	_ =	shalt  }
0x46: {  	_ =	shalt  }
0x47: {  	_ =	shalt  }
0x48: {  	_ =	shalt  }
0x49: {  	_ =	shalt  }
0x4a: {  	_ =	shalt  }
0x4b: {  	_ =	shalt  }
0x4c: {  	_ =	shalt  }
0x4d: {  	_ =	shalt  }
0x4e: {  	_ =	shalt  }
0x4f: {  	_ =	shalt  }
0x50: {  	_ =	shalt  }
0x51: {  	_ =	shalt  }
0x52: {  	_ =	shalt  }
0x53: {  	_ =	shalt  }
0x54: {  	_ =	shalt  }
0x55: {  	_ =	shalt  }
0x56: {  	_ =	shalt  }
0x57: {  	_ =	shalt  }
0x58: {  	_ =	shalt  }
0x59: {  	_ =	shalt  }
0x5a: {  	_ =	shalt  }
0x5b: {  	_ =	shalt  }
0x5c: {  	_ =	shalt  }
0x5d: {  	_ =	shalt  }
0x5e: {  	_ =	shalt  }
0x5f: {  	_ =	shalt  }
0x60: {  	_ =	shalt  }
0x61: {  	_ =	shalt  }
0x62: {  	_ =	shalt  }
0x63: {  	_ =	shalt  }
0x64: {  	_ =	shalt  }
0x65: {  	_ =	shalt  }
0x66: {  	_ =	shalt  }
0x67: {  	_ =	shalt  }
0x68: {  	_ =	shalt  }
0x69: {  	_ =	shalt  }
0x6a: {  	_ =	shalt  }
0x6b: {  	_ =	shalt  }
0x6c: {  	_ =	shalt  }
0x6d: {  	_ =	shalt  }
0x6e: {  	_ =	shalt  }
0x6f: {  	_ =	shalt  }
0x70: {  	_ =	shalt  }
0x71: {  	_ =	shalt  }
0x72: {  	_ =	shalt  }
0x73: {  	_ =	shalt  }
0x74: {  	_ =	shalt  }
0x75: {  	_ =	shalt  }
0x76: {  	_ =	shalt  }
0x77: {  	_ =	shalt  }
0x78: {  	_ =	shalt  }
0x79: {  	_ =	shalt  }
0x7a: {  	_ =	shalt  }
0x7b: {  	_ =	shalt  }
0x7c: {  	_ =	shalt  }
0x7d: {  	_ =	shalt  }
0x7e: {  	_ =	shalt  }
0x7f: {  	_ =	shalt  }
0x80: {  	_ =	shalt  }
0x81: {  	_ =	shalt  }
0x82: {  	_ =	shalt  }
0x83: {  	_ =	shalt  }
0x84: {  	_ =	shalt  }
0x85: {  	_ =	shalt  }
0x86: {  	_ =	shalt  }
0x87: {  	_ =	shalt  }
.Lfunc_end0:
.L_simem_size_0:
called_computation_lowered:
.L_overlay_start_0:
0x88: {  	s2 =	sld [smem:$0x3FD9]  }
0x89: {  	s3 =	sld [smem:$0x3FFE];
	_ =	sdelay $0x1  }
0x8a: {  	s1 =	srdreg.scid  }
0x8b: {  	s0 =	sand.u32 $0x1, s1  }
0x8c: {  	s16 =	sshll.u32 s0, $0xA;
	s2 =	sadd.s32 s3, s2  }
0x8d: {  	s2 =	sadd.s32 s2, s16  }
0x8e: {  	[smem:$0x3FBC] =	sst s2  }
0x8f: {  	_ = 	snop  }
0x90: {  	(tm) =	ssettm $0x1  }
0x91: {  	s17 =	sld [smem:$0x3FFB];
	_ =	sdelay $0x3  }
0x92: {  	_ =	strace s17  }
0x93: {  	s2 =	sld [smem:$0x3FFC];
	_ =	sdelay $0x3  }
0x94: {  	_ =	strace s2  }
0x95: {  	s2 =	sld [smem:$0x3FFD];
	_ =	sdelay $0x3  }
0x96: {  	_ =	strace s2  }
0x97: {  	_ =	strace $0x8FFFFFFF  }
0x98: {  	s18 =	sld [smem:$0x3FDB];
	_ =	sdelay $0x1  }
0x99: {  	s19 =	simm.s32 $_scs_section_size  }
0x9a: {  	s4 =	simm.s32 $_size__tile_overlayer_lowered;
	s5 =	simm.s32 $_tile_overlayer_lowered  }
0x9b: {  	s22 =	simm.s32 $0x1BFF;
	s21 =	sshll.u32 s5, $0x1;
	s2 =	sadd.s32 s19, s18  }
0x9c: {  	s6 =	simm.s32 $0x0;
	s20 =	sshll.u32 s4, $0x1;
	s4 =	sadd.s32 s21, s2  }
0x9d: {  	[timem:s6], [sflag:s22] =	dma.local [hbm:s4], s20  }
0x9e: {  	_ =	swait.ge [sflag:s22], s20  }
0x9f: {  	s3 =	ssub.s32 $0x0, s20;
	[sflag:s22] =	ssyncset.done $0x0  }
0xa0: {  	[sflag:s22] =	ssyncadd.s32 s3;
	_ =	sdelay $0x1  }
0xa1: {  	s23 =	simm.s32 $0x1B8B  }
0xa2: {  	_ =	swait.ge [sflag:s23], $0x1  }
0xa3: {  	[sflag:s23] =	ssyncset.done $0x0  }
0xa4: {  	s25 =	simm.s32 $0x1B8E;
	s24 =	sld [smem:$0x3FFE];
	[sflag:s23] =	ssyncadd.s32 $0xFFFFFFFF  }
0xa5: {  	s26 =	simm.s32 $execute0_lowered;
	[smem:$0x3FD2] =	sst s25  }
0xa6: {  	s4 =	sshll.u32 s26, $0x1;
	_ =	strace $0x80000049;
	[dreg:$0x1] =	wrdreg $0xFFFFFFFF  }
0xa7: {  	s28 =	simm.s32 $_size_execute0_lowered;
	s2 =	sadd.s32 s2, s4;
	[dreg:$0x0] =	wrdreg $0x0  }
0xa8: {  	s4 =	sshll.u32 s28, $0x1;
	[dreg:$0x2] =	wrdreg s2  }
0xa9: {  	[dreg:$0x3] =	wrdreg s4  }
0xaa: {  	[dreg:$0x4] =	wrdreg $0xC0  }
0xab: {  	_ =	task [dreg:s6], $0x5FFFF  }
0xac: {  	[dreg:$0x1] =	wrdreg $0xFFFFFFFF  }
0xad: {  	[dreg:$0x0] =	wrdreg $0x60  }
0xae: {  	[dreg:$0x2] =	wrdreg s24  }
0xaf: {  	[dreg:$0x3] =	wrdreg $0x90000  }
0xb0: {  	[dreg:$0x4] =	wrdreg $0x9  }
0xb1: {  	_ =	task.clear_ibuf [dreg:s6], $0x5FFFF;
	_ =	strace $0x90000049  }
0xb2: {  	s29 =	simm.s32 $0x9;
	_ =	strace $0x8000004B  }
0xb3: {  	_ =	swait.ge [sflag:s29], $0x1  }
0xb4: {  	[sflag:s29] =	ssyncadd.s32 $0xFFFFFFFF  }
0xb5: {  	_ =	strace $0x9000004B  }
0xb6: {  	_ =	sfence  }
0xb7: {  	s30 =	sld [smem:$0x0];
	_ =	sdelay $0x2  }
0xb8: {  	s31 =	sshll.u32 s1, $0xD;
	s1 =	sshrl.u32 s1, $0x2  }
0xb9: {  	s3 =	sand.u32 $0x4000, s31;
	s1 =	sadd.s32 s1, s30  }
0xba: {  	s0 =	sor.u32 s3, s0;
	s1 =	sshll.u32 s1, $0x11  }
0xbb: {  	s0 =	sor.u32 s1, s0  }
0xbc: {  	s0 =	sadd.s32 $0x8F2B, s0  }
0xbd: {  	[sflag:s0] =	ssyncadd.remote.s32 $0x1  }
0xbe: {  	_ =	sfence.sel $0xFFFF  }
0xbf: {  	[dreg:$0x0] =	wrdreg $0xFFFFFFFF;
	(pc) =	sbr.abs _section_cstart, $3  }
0xc0: {  	[dreg:$0x1] =	wrdreg $0xFFFFFFFF  }
0xc1: {  	_ =	task.clear_ibuf [dreg:s6], $0x2FFFF;
	_ =	strace $0x9FFFFFFF  }
0xc2: {  	(tm) =	ssettm $0x7FFFFFFF  }
0xc3: {  	_ =	shalt  }
tec
execute0_lowered:
.L_overlay_start_1:
0x0: {  	(tag) =	ssettag $0x1  }
0x1: {  	s7 =	rddreg [dreg:$0x0]  }
0x2: {  	s2 =	rddreg [dreg:$0x1]  }
0x3: {  	s0 =	rddreg [dreg:$0x2]  }
0x4: {  	s4 =	srdreg.scid;
	s1 =	stileid.u32;
	s3 =	simm.s32 $0x0  }
0x5: {  	s13 =	simm.s32 $0x80;
	s14 =	simm.s32 $0x1000;
	s15 =	simm.s32 $0x100  }
0x6: {  	s16 =	simm.s32 $0x3000;
	s17 =	simm.s32 $0x1;
	s18 =	simm.s32 $0x5000  }
0x7: {  	s19 =	simm.s32 $0x2;
	s20 =	simm.s32 $0x3;
	s8 =	sand.u32 $0x1, s4  }
0x8: {  	s9 =	smul.u32 $0x13C00, s1;
	[smem:$0x7FF] =	sst s3;
	s4 =	sadd.s32 $0x119600, s7  }
0x9: {  	s5 =	sadd.s32 $0x2A000, s7;
	s31 =	sshll.u32 s1, $0x6;
	s6 =	smul.u32 $0x13C000, s8  }
0xa: {  	_ =	strace $0x8000004A;
	s11 =	ssub.s32 $0x2, s8;
	s8 =	sshll.u32 s8, $0x4  }
.Ltmp0:
0xb: {  	s30 =	sshrl.u32 s11, $0x1;
	s10 =	sadd.s32 s9, s6;
	(pc) =	sbr.rel .LBB2_1-.Ltmp0, $4  }
0xc: {  	s8 =	sor.u32 s1, s8;
	s12 =	sadd.s32 s9, s2;
	s10 =	sshrl.u32 s10, $0x3  }
0xd: {  	s6 =	sadd.s32 $0x52000, s7;
	s11 =	ssub.s32 s11, s30;
	s10 =	sadd.s32 s10, s7  }
0xe: {  	s8 =	smul.u32 $0xA000, s8;
	s7 =	sor.u32 $0x1C04, s31;
	s9 =	sadd.s32 $0x12D000, s10  }
0xf: {  	s10 =	smax.u32 s11, $0x1;
	s11 =	sshrl.u32 s12, $0x3;
	s12 =	simm.s32 $0x4  }
.LBB2_10:
0x10: {  	s3 =	sadd.s32 $0x1, s3  }
0x11: {  	p0 =	sne.s32 s3, s10  }
.Ltmp1:
0x12: {  	[bflag:$0x0] =	sbarrier.arrive $0xFFFF;
	(pc) =	sbr.rel @!p0 .LBB2_11-.Ltmp1, $4  }
0x13: {  	[hbm:s9], [sflag:s7] =	dma.local [spmem:s11], $0x2780  }
0x14: {  	_ =	swait.ge [sflag:s12], $0x2780  }
0x15: {  	[sflag:s12] =	ssyncset.done $0x0  }
0x16: {  	[sflag:s12] =	ssyncadd.s32 $0xFFFFD880  }
.LBB2_1:
0x17: {  	[spmem:s11], [sflag:s7] =	dma.local [hbm:s6], $0x2780  }
.Ltmp2:
0x18: {  	_ =	swait.ge [sflag:s12], $0x2780;
	(pc) =	sbr.rel .LBB2_2-.Ltmp2, $4  }
0x19: {  	[sflag:s12] =	ssyncset.done $0x0  }
0x1a: {  	[sflag:s12] =	ssyncadd.s32 $0xFFFFD880  }
0x1b: {  	[bflag:$0x0] =	sbarrier.arrive $0xFFFF  }
0x1c: {  	s21 =	simm.s32 $0x0  }
.LBB2_9:
0x1d: {  	s21 =	sadd.s32 $0x1, s21  }
0x1e: {  	p0 =	sne.s32 s21, $0xA  }
.Ltmp3:
0x1f: {  	_ = 	snop;
	(pc) =	sbr.rel @!p0 .LBB2_10-.Ltmp3, $4  }
0x20: {  	_ = 	snop  }
0x21: {  	_ =	swait.ge [sflag:s20], $0x4000  }
0x22: {  	[sflag:s20] =	ssyncset.done $0x0  }
0x23: {  	[sflag:s20] =	ssyncadd.s32 $0xFFFFC000  }
.LBB2_2:
0x24: {  	s22 =	sshll.u32 s21, $0xC  }
0x25: {  	s22 =	sadd.s32 s8, s22  }
0x26: {  	s22 =	sshrl.u32 s22, $0x3  }
0x27: {  	s23 =	sadd.s32 s5, s22;
	s22 =	simm.s32 $0x0  }
0x28: {  	[tilespmem:s22], [sflag:$0x4] =	stream.linear.gather [hbm4b:s23+s22], $0x1000, $0x38;
	[tilespmem:$0x1CC00] =	vst v63  }
0x29: {  	_ =	swait.ge [sflag:s12], $0x1000  }
0x2a: {  	[sflag:s12] =	ssyncset.done $0x0  }
0x2b: {  	[sflag:s12] =	ssyncadd.s32 $0xFFFFF000  }
0x2c: {  	[tilespmem:s14], [sflag:$0x1] =	stream.indirect.gather [hbm4b:s4+s13], $0x40, s22, s13, $0xb8;
	[tilespmem:$0x1CC00] =	vst v63  }
0x2d: {  	_ = 	snop  }
0x2e: {  	[tilespmem:s16], [sflag:$0x2] =	stream.indirect.gather [hbm4b:s4+s13], $0x40, s15, s13, $0xb8;
	[tilespmem:$0x1CC00] =	vst v63  }
.LBB2_3:
0x2f: {  	_ =	swait.ge [sflag:s17], $0x2000  }
0x30: {  	p0 =	seq.s32 s22, $0x0;
	[sflag:s17] =	ssyncset.done $0x0  }
0x31: {  	s23 =	simm.s32 @!p0 $0x3;
	[sflag:s17] =	ssyncadd.s32 $0xFFFFE000  }
0x32: {  	_ =	swait.ge @!p0 [sflag:s23], $0x4000  }
0x33: {  	[sflag:s23] =	ssyncset.done @!p0 $0x0  }
0x34: {  	s24 =	simm.s32 $0x0;
	[sflag:s23] =	ssyncadd.s32 @!p0 $0xFFFFC000  }
0x35: {  	v0 =	vld [tilespmem:s24+$0x1000];
	_ =	sdelay $0x4  }
0x36: {  	s23 =	simm.s32 $0x5040;
	v1 =	vunpack.i.l.bf16.f32 v0  }
0x37: {  	v0 =	vunpack.i.u.bf16.f32 v0;
	[tilespmem:s23+$0xFFFFFFC0] =	vst v1  }
0x38: {  	[tilespmem:s23+$0x0] =	vst v0  }
0x39: {  	v0 =	vld [tilespmem:s24+$0x1010];
	_ =	sdelay $0x4  }
0x3a: {  	v1 =	vunpack.i.l.bf16.f32 v0  }
0x3b: {  	v0 =	vunpack.i.u.bf16.f32 v0;
	[tilespmem:s23+$0xFFFFFFD0] =	vst v1  }
0x3c: {  	[tilespmem:s23+$0x10] =	vst v0  }
0x3d: {  	v0 =	vld [tilespmem:s24+$0x1020];
	_ =	sdelay $0x4  }
0x3e: {  	v1 =	vunpack.i.u.bf16.f32 v0  }
0x3f: {  	v0 =	vunpack.i.l.bf16.f32 v0;
	[tilespmem:s23+$0x20] =	vst v1  }
0x40: {  	[tilespmem:s23+$0xFFFFFFE0] =	vst v0  }
0x41: {  	v0 =	vld [tilespmem:s24+$0x1030];
	_ =	sdelay $0x4  }
0x42: {  	v1 =	vunpack.i.l.bf16.f32 v0  }
0x43: {  	v0 =	vunpack.i.u.bf16.f32 v0;
	[tilespmem:s23+$0xFFFFFFF0] =	vst v1  }
0x44: {  	s24 =	simm.s32 $0x40;
	[tilespmem:s23+$0x30] =	vst v0  }
0x45: {  	v0 =	vld [tilespmem:s24+$0x1000]  }
0x46: {  	s25 =	simm.s32 $0x200  }
.LBB2_4:
0x47: {  	p0 =	sne.s32 s25, $0x7F00;
	_ =	sdelay $0x2  }
0x48: {  	s23 =	sadd.s32 $0x80, s23;
	v1 =	vunpack.i.l.bf16.f32 v0  }
0x49: {  	v0 =	vunpack.i.u.bf16.f32 v0;
	[tilespmem:s23+$0xFFFFFFC0] =	vst v1  }
0x4a: {  	[tilespmem:s23+$0x0] =	vst v0  }
0x4b: {  	v0 =	vld [tilespmem:s24+$0x1010];
	_ =	sdelay $0x4  }
0x4c: {  	v1 =	vunpack.i.l.bf16.f32 v0  }
0x4d: {  	v0 =	vunpack.i.u.bf16.f32 v0;
	[tilespmem:s23+$0xFFFFFFD0] =	vst v1  }
0x4e: {  	[tilespmem:s23+$0x10] =	vst v0  }
0x4f: {  	v0 =	vld [tilespmem:s24+$0x1020];
	_ =	sdelay $0x4  }
0x50: {  	v1 =	vunpack.i.u.bf16.f32 v0;
	v0 =	vunpack.i.l.bf16.f32 v0  }
0x51: {  	[tilespmem:s23+$0x20] =	vst v1  }
0x52: {  	[tilespmem:s23+$0xFFFFFFE0] =	vst v0  }
0x53: {  	v0 =	vld [tilespmem:s24+$0x1030];
	_ =	sdelay $0x4  }
.Ltmp4:
0x54: {  	v1 =	vunpack.i.u.bf16.f32 v0;
	v0 =	vunpack.i.l.bf16.f32 v0;
	(pc) =	sbr.rel @p0 .LBB2_4-.Ltmp4, $4  }
0x55: {  	[tilespmem:s23+$0xFFFFFFF0] =	vst v0  }
0x56: {  	s24 =	sshra.s32 s25, $0x2;
	[tilespmem:s23+$0x30] =	vst v1  }
0x57: {  	v0 =	vld [tilespmem:s24+$0x1000]  }
0x58: {  	s25 =	sadd.s32 $0x100, s25  }
0x59: {  	_ =	sdelay $0x2  }
0x5a: {  	s25 =	sadd.s32 $0x80, s23;
	v1 =	vunpack.i.l.bf16.f32 v0  }
0x5b: {  	v0 =	vunpack.i.u.bf16.f32 v0;
	[tilespmem:s25+$0xFFFFFFC0] =	vst v1  }
0x5c: {  	[tilespmem:s25+$0x0] =	vst v0  }
0x5d: {  	v0 =	vld [tilespmem:s24+$0x1010];
	_ =	sdelay $0x4  }
0x5e: {  	v1 =	vunpack.i.l.bf16.f32 v0  }
0x5f: {  	v0 =	vunpack.i.u.bf16.f32 v0;
	[tilespmem:s25+$0xFFFFFFD0] =	vst v1  }
0x60: {  	[tilespmem:s25+$0x10] =	vst v0  }
0x61: {  	v0 =	vld [tilespmem:s24+$0x1020];
	_ =	sdelay $0x4  }
0x62: {  	v1 =	vunpack.i.u.bf16.f32 v0  }
0x63: {  	v0 =	vunpack.i.l.bf16.f32 v0;
	[tilespmem:s25+$0x20] =	vst v1  }
0x64: {  	[tilespmem:s25+$0xFFFFFFE0] =	vst v0  }
0x65: {  	v0 =	vld [tilespmem:s24+$0x1030];
	_ =	sdelay $0x4  }
0x66: {  	s29 =	sshll.u32 s22, $0x9;
	v1 =	vunpack.i.l.bf16.f32 v0  }
0x67: {  	s23 =	sand.u32 $0x3FFFFE00, s29;
	v0 =	vunpack.i.u.bf16.f32 v0;
	[tilespmem:s25+$0xFFFFFFF0] =	vst v1  }
0x68: {  	p0 =	seq.s32 s22, $0x7;
	s30 =	sor.u32 $0x80, s23;
	[tilespmem:s25+$0x30] =	vst v0  }
0x69: {  	[spmem:s2] =	stream.indirect.scatter.add.f32 [tilespmem:s18], [sflag:$0x3], $0x80, s30, s13, $0xb8;
	[tilespmem:$0x1CC00] =	vst v63  }
0x6a: {  	s26 =	simm.s32 @!p0 $0x1000;
	s24 =	sadd.s32 @!p0 $0x200, s23;
	s25 =	simm.s32 @!p0 $0x80  }
0x6b: {  	[tilespmem:s26], [sflag:$0x1] =	stream.indirect.gather @!p0 [hbm4b:s4+s25], $0x40, s24, s25, $0xb8;
	[tilespmem:$0x1CC00] =	vst v63  }
0x6c: {  	_ =	swait.ge [sflag:s19], $0x2000  }
0x6d: {  	[sflag:s19] =	ssyncset.done $0x0  }
0x6e: {  	[sflag:s19] =	ssyncadd.s32 $0xFFFFE000  }
0x6f: {  	_ =	swait.ge [sflag:s20], $0x4000  }
0x70: {  	[sflag:s20] =	ssyncset.done $0x0  }
0x71: {  	s31 =	simm.s32 $0x0;
	[sflag:s20] =	ssyncadd.s32 $0xFFFFC000  }
0x72: {  	v0 =	vld [tilespmem:s31+$0x3000];
	_ =	sdelay $0x4  }
0x73: {  	s24 =	simm.s32 $0x5040;
	v1 =	vunpack.i.l.bf16.f32 v0  }
0x74: {  	v0 =	vunpack.i.u.bf16.f32 v0;
	[tilespmem:s24+$0xFFFFFFC0] =	vst v1  }
0x75: {  	[tilespmem:s24+$0x0] =	vst v0  }
0x76: {  	v0 =	vld [tilespmem:s31+$0x3010];
	_ =	sdelay $0x4  }
0x77: {  	v1 =	vunpack.i.l.bf16.f32 v0  }
0x78: {  	v0 =	vunpack.i.u.bf16.f32 v0;
	[tilespmem:s24+$0xFFFFFFD0] =	vst v1  }
0x79: {  	[tilespmem:s24+$0x10] =	vst v0  }
0x7a: {  	v0 =	vld [tilespmem:s31+$0x3020];
	_ =	sdelay $0x4  }
0x7b: {  	v1 =	vunpack.i.u.bf16.f32 v0  }
0x7c: {  	v0 =	vunpack.i.l.bf16.f32 v0;
	[tilespmem:s24+$0x20] =	vst v1  }
0x7d: {  	[tilespmem:s24+$0xFFFFFFE0] =	vst v0  }
0x7e: {  	v0 =	vld [tilespmem:s31+$0x3030];
	_ =	sdelay $0x4  }
0x7f: {  	v1 =	vunpack.i.l.bf16.f32 v0  }
0x80: {  	v0 =	vunpack.i.u.bf16.f32 v0;
	[tilespmem:s24+$0xFFFFFFF0] =	vst v1  }
0x81: {  	s25 =	simm.s32 $0x40;
	[tilespmem:s24+$0x30] =	vst v0  }
0x82: {  	v0 =	vld [tilespmem:s25+$0x3000]  }
0x83: {  	s26 =	simm.s32 $0x200  }
.LBB2_6:
0x84: {  	p1 =	sne.s32 s26, $0x7F00;
	_ =	sdelay $0x2  }
0x85: {  	s24 =	sadd.s32 $0x80, s24;
	v1 =	vunpack.i.l.bf16.f32 v0  }
0x86: {  	v0 =	vunpack.i.u.bf16.f32 v0;
	[tilespmem:s24+$0xFFFFFFC0] =	vst v1  }
0x87: {  	[tilespmem:s24+$0x0] =	vst v0  }
0x88: {  	v0 =	vld [tilespmem:s25+$0x3010];
	_ =	sdelay $0x4  }
0x89: {  	v1 =	vunpack.i.l.bf16.f32 v0  }
0x8a: {  	v0 =	vunpack.i.u.bf16.f32 v0;
	[tilespmem:s24+$0xFFFFFFD0] =	vst v1  }
0x8b: {  	[tilespmem:s24+$0x10] =	vst v0  }
0x8c: {  	v0 =	vld [tilespmem:s25+$0x3020];
	_ =	sdelay $0x4  }
0x8d: {  	v1 =	vunpack.i.u.bf16.f32 v0;
	v0 =	vunpack.i.l.bf16.f32 v0  }
0x8e: {  	[tilespmem:s24+$0x20] =	vst v1  }
0x8f: {  	[tilespmem:s24+$0xFFFFFFE0] =	vst v0  }
0x90: {  	v0 =	vld [tilespmem:s25+$0x3030];
	_ =	sdelay $0x4  }
.Ltmp5:
0x91: {  	v1 =	vunpack.i.u.bf16.f32 v0;
	v0 =	vunpack.i.l.bf16.f32 v0;
	(pc) =	sbr.rel @p1 .LBB2_6-.Ltmp5, $4  }
0x92: {  	[tilespmem:s24+$0xFFFFFFF0] =	vst v0  }
0x93: {  	s25 =	sshra.s32 s26, $0x2;
	[tilespmem:s24+$0x30] =	vst v1  }
0x94: {  	v0 =	vld [tilespmem:s25+$0x3000]  }
0x95: {  	s26 =	sadd.s32 $0x100, s26  }
0x96: {  	_ =	sdelay $0x2  }
0x97: {  	s24 =	sadd.s32 $0x80, s24;
	v1 =	vunpack.i.l.bf16.f32 v0  }
0x98: {  	v60 =	vunpack.i.u.bf16.f32 v0;
	[tilespmem:s24+$0xFFFFFFC0] =	vst v1  }
0x99: {  	[tilespmem:s24+$0x0] =	vst v60  }
0x9a: {  	v0 =	vld [tilespmem:s25+$0x3010];
	_ =	sdelay $0x4  }
0x9b: {  	v61 =	vunpack.i.l.bf16.f32 v0  }
0x9c: {  	v0 =	vunpack.i.u.bf16.f32 v0;
	[tilespmem:s24+$0xFFFFFFD0] =	vst v61  }
0x9d: {  	[tilespmem:s24+$0x10] =	vst v0  }
0x9e: {  	v0 =	vld [tilespmem:s25+$0x3020];
	_ =	sdelay $0x4  }
0x9f: {  	v62 =	vunpack.i.u.bf16.f32 v0  }
0xa0: {  	v0 =	vunpack.i.l.bf16.f32 v0;
	[tilespmem:s24+$0x20] =	vst v62  }
0xa1: {  	[tilespmem:s24+$0xFFFFFFE0] =	vst v0  }
0xa2: {  	v0 =	vld [tilespmem:s25+$0x3030];
	_ =	sdelay $0x3  }
.Ltmp6:
0xa3: {  	_ = 	snop;
	(pc) =	sbr.rel @p0 .LBB2_9-.Ltmp6, $4  }
0xa4: {  	v63 =	vunpack.i.l.bf16.f32 v0  }
0xa5: {  	v0 =	vunpack.i.u.bf16.f32 v0;
	[tilespmem:s24+$0xFFFFFFF0] =	vst v63  }
0xa6: {  	s31 =	sadd.s32 $0x180, s23;
	[tilespmem:s24+$0x30] =	vst v0  }
0xa7: {  	[spmem:s2] =	stream.indirect.scatter.add.f32 [tilespmem:s18], [sflag:$0x3], $0x80, s31, s13, $0xb8;
	[tilespmem:$0x1CC00] =	vst v63  }
.Ltmp7:
0xa8: {  	(pc) =	sbr.rel .LBB2_3-.Ltmp7, $3  }
0xa9: {  	_ =	sdelay $0x1  }
0xaa: {  	s23 =	sadd.s32 $0x300, s23;
	s22 =	sadd.s32 $0x1, s22  }
0xab: {  	[tilespmem:s16], [sflag:$0x2] =	stream.indirect.gather [hbm4b:s4+s13], $0x40, s23, s13, $0xb8;
	[tilespmem:$0x1CC00] =	vst v63  }
.LBB2_11:
0xac: {  	_ =	sfence.sel $0x180000  }
0xad: {  	[bflag:$0x0] =	sbarrier.arrive $0xFFFF  }
0xae: {  	p0 =	sne.s32 s1, $0x0;
	_ =	strace $0x9000004A  }
0xaf: {  	s0 =	sadd.s32 @!p0 $0x100000, s0;
	[bflag:$0x2] =	sbarrier.arrive $0xFFFF  }
0xb0: {  	[sflag:s0] =	ssyncadd.tile.s32 @!p0 $0x1;
	_ =	shalt  }
.Lfunc_end2:
_tile_overlayer_lowered:
.L_overlay_start_2:
0xb1: {  	(tag) =	ssettag $0x2  }
0xb2: {  	s0 =	rddreg [dreg:$0x0];
	s2 =	stileid.u32  }
0xb3: {  	s1 =	rddreg [dreg:$0x1];
	p0 =	sne.s32 s2, $0x0  }
0xb4: {  	s3 =	rddreg [dreg:$0x2];
	[bflag:$0x3] =	sbarrier.arrive $0xFFFF;
	s2 =	simm.s32 @!p0 $0x1C04  }
0xb5: {  	[timem:s3], [sflag:s2] =	dma.local @!p0 [hbm:s0], s1  }
0xb6: {  	s0 =	simm.s32 @!p0 $0x4  }
0xb7: {  	_ =	swait.ge @!p0 [sflag:s0], s1  }
0xb8: {  	s1 =	ssub.s32 @!p0 $0x0, s1;
	[sflag:s0] =	ssyncset.done @!p0 $0x0  }
0xb9: {  	[sflag:s0] =	ssyncadd.s32 @!p0 s1  }
0xba: {  	[bflag:$0x3] =	sbarrier.arrive $0xFFFF  }
0xbb: {  	_ =	shalt  }

// kernel: kernel.5.cloned.1.call-start
scs
__scs_entry_jumppad:
0x0: {  	(pc) =	sbr.rel $0x88, $3  }
0x1: {  	(tag) =	ssettag $0x0;
	lr =	simm.s32 $0x1  }
0x2: {  	[smem:$0x3F95] =	sst lr;
	_ =	strace $0xD0000000  }
0x3: {  	_ = 	snop  }
0x4: {  	_ = 	snop  }
0x5: {  	_ = 	snop  }
0x6: {  	_ = 	snop  }
0x7: {  	_ = 	snop  }
__scs_overlays_trampoline_lowered:
0x8: {  	[smem:$0x3FA4] =	sst s0  }
0x9: {  	[smem:$0x3FA5] =	sst s1  }
0xa: {  	[smem:$0x3FA6] =	sst s2  }
0xb: {  	[smem:$0x3FA7] =	sst s3  }
0xc: {  	[smem:$0x3FA8] =	sst s4  }
0xd: {  	[smem:$0x3FA9] =	sst s5  }
0xe: {  	[smem:$0x3FAA] =	sst s6  }
0xf: {  	[smem:$0x3FAB] =	sst s7  }
0x10: {  	[smem:$0x3FAC] =	sst s8  }
0x11: {  	[smem:$0x3FAD] =	sst s9;
	s0 =	simm.s32 @!p0 $0x0  }
0x12: {  	s1 =	sld [smem:$0x3F93];
	s0 =	simm.s32 @p0 $0x1  }
0x13: {  	[smem:$0x3FAE] =	sst s0;
	s0 =	simm.s32 @!p1 $0x0  }
0x14: {  	s2 =	sld [smem:$0x3F92];
	s0 =	simm.s32 @p1 $0x1  }
0x15: {  	[smem:$0x3FAF] =	sst s0;
	s0 =	simm.s32 @!p2 $0x0  }
0x16: {  	s3 =	sld [smem:$0x3FDB];
	s0 =	simm.s32 @p2 $0x1  }
0x17: {  	s4 =	simm.s32 $0x1BF5;
	[smem:$0x3FB1] =	sst s0  }
0x18: {  	s0 =	sld [smem:$0x3F94];
	_ =	swait.ge [sflag:s4], $0x0  }
0x19: {  	s7 =	sld [smem:$0x3F95]  }
0x1a: {  	s8 =	sadd.s32 $0xFFFFE003, lr  }
0x1b: {  	s9 =	sadd.s32 $0xFFFFFEF7, lr;
	s5 =	simm.s32 $0xFFFFFFFF;
	p2 =	slt.u32 s8, $0xFFFFF086  }
0x1c: {  	p1 =	slt.u32 s9, $0xF7A;
	s5 =	simm.s32 @!p2 $0x0  }
0x1d: {  	s5 =	simm.s32 @p1 $0x1;
	p0 =	seq.s32 s7, s2  }
0x1e: {  	s7 =	smul.u32 @!p0 $0xF7A, s2;
	p2 =	seq.s32 @!p0 s5, $0x0  }
0x1f: {  	s9 =	smul.u32 $0xF7A, s1;
	s8 =	simm.s32 @!p0 $0x1BF5;
	p2 =	por !p2, p0  }
0x20: {  	[sflag:s8] =	ssyncset.s32 @!p0 $0xFFFFF086;
	s6 =	sadd.s32 @!p0 s3, s7;
	s7 =	simm.s32 @!p0 $0x108  }
0x21: {  	s3 =	sadd.s32 s3, s9;
	s6 =	sadd.s32 @!p0 $0x88, s6;
	s7 =	simm.s32 @p2 $0x1082  }
0x22: {  	[simem:s7], [sflag:s8] =	dma.local @!p0 [hbm:s6], $0xF7A  }
0x23: {  	s9 =	sor.u32 $0xD0000000, s2;
	s6 =	simm.s32 $0x108;
	_ =	swait.ge @!p0 [sflag:s8], $0x0  }
0x24: {  	s3 =	sadd.s32 $0x88, s3;
	s6 =	simm.s32 @!p1 $0x1082;
	[sflag:s4] =	ssyncset.s32 $0xFFFFF086  }
0x25: {  	[simem:s6], [sflag:s4] =	dma.local [hbm:s3], $0xF7A  }
0x26: {  	[smem:$0x3F95] =	sst s1;
	(tag) =	ssettag s2;
	_ =	strace s9  }
0x27: {  	s1 =	sld [smem:$0x3FA5]  }
0x28: {  	s2 =	sld [smem:$0x3FA6]  }
0x29: {  	s4 =	sld [smem:$0x3FA8]  }
0x2a: {  	p0 =	seq.s32 s5, $0x0;
	s5 =	sld [smem:$0x3FA9]  }
0x2b: {  	s6 =	sld [smem:$0x3FAA]  }
0x2c: {  	s7 =	sld [smem:$0x3FAB]  }
0x2d: {  	s3 =	simm.s32 $0x108;
	s8 =	sld [smem:$0x3FAC]  }
0x2e: {  	s3 =	simm.s32 @!p0 $0x1082;
	s9 =	sld [smem:$0x3FAD]  }
0x2f: {  	lr =	sadd.s32 s0, s3;
	s0 =	sld [smem:$0x3FA4]  }
0x30: {  	s3 =	sld [smem:$0x3FA7]  }
0x31: {  	[smem:$0x3FB0] =	sst s10  }
0x32: {  	s10 =	sld [smem:$0x3FAE];
	_ =	sdelay $0x3  }
0x33: {  	p0 =	seq.s32 s10, $0x1;
	s10 =	sld [smem:$0x3FB0];
	_ =	sdelay $0x3  }
0x34: {  	[smem:$0x3FB0] =	sst s10  }
0x35: {  	s10 =	sld [smem:$0x3FAF];
	_ =	sdelay $0x3  }
0x36: {  	p1 =	seq.s32 s10, $0x1;
	s10 =	sld [smem:$0x3FB0];
	_ =	sdelay $0x3  }
0x37: {  	[smem:$0x3FB0] =	sst s10  }
0x38: {  	s10 =	sld [smem:$0x3FB1]  }
0x39: {  	_ = 	snop;
	(pc) =	sbr.ind lr, $3  }
0x3a: {  	_ = 	snop  }
0x3b: {  	_ = 	snop  }
0x3c: {  	p2 =	seq.s32 s10, $0x1;
	s10 =	sld [smem:$0x3FB0]  }
0x3d: {  	_ =	shalt  }
0x3e: {  	_ =	shalt  }
0x3f: {  	_ =	shalt  }
0x40: {  	_ =	shalt  }
0x41: {  	_ =	shalt  }
0x42: {  	_ =	shalt  }
0x43: {  	_ =	shalt  }
0x44: {  	_ =	shalt  }
0x45: {  	_ =	shalt  }
0x46: {  	_ =	shalt  }
0x47: {  	_ =	shalt  }
0x48: {  	_ =	shalt  }
0x49: {  	_ =	shalt  }
0x4a: {  	_ =	shalt  }
0x4b: {  	_ =	shalt  }
0x4c: {  	_ =	shalt  }
0x4d: {  	_ =	shalt  }
0x4e: {  	_ =	shalt  }
0x4f: {  	_ =	shalt  }
0x50: {  	_ =	shalt  }
0x51: {  	_ =	shalt  }
0x52: {  	_ =	shalt  }
0x53: {  	_ =	shalt  }
0x54: {  	_ =	shalt  }
0x55: {  	_ =	shalt  }
0x56: {  	_ =	shalt  }
0x57: {  	_ =	shalt  }
0x58: {  	_ =	shalt  }
0x59: {  	_ =	shalt  }
0x5a: {  	_ =	shalt  }
0x5b: {  	_ =	shalt  }
0x5c: {  	_ =	shalt  }
0x5d: {  	_ =	shalt  }
0x5e: {  	_ =	shalt  }
0x5f: {  	_ =	shalt  }
0x60: {  	_ =	shalt  }
0x61: {  	_ =	shalt  }
0x62: {  	_ =	shalt  }
0x63: {  	_ =	shalt  }
0x64: {  	_ =	shalt  }
0x65: {  	_ =	shalt  }
0x66: {  	_ =	shalt  }
0x67: {  	_ =	shalt  }
0x68: {  	_ =	shalt  }
0x69: {  	_ =	shalt  }
0x6a: {  	_ =	shalt  }
0x6b: {  	_ =	shalt  }
0x6c: {  	_ =	shalt  }
0x6d: {  	_ =	shalt  }
0x6e: {  	_ =	shalt  }
0x6f: {  	_ =	shalt  }
0x70: {  	_ =	shalt  }
0x71: {  	_ =	shalt  }
0x72: {  	_ =	shalt  }
0x73: {  	_ =	shalt  }
0x74: {  	_ =	shalt  }
0x75: {  	_ =	shalt  }
0x76: {  	_ =	shalt  }
0x77: {  	_ =	shalt  }
0x78: {  	_ =	shalt  }
0x79: {  	_ =	shalt  }
0x7a: {  	_ =	shalt  }
0x7b: {  	_ =	shalt  }
0x7c: {  	_ =	shalt  }
0x7d: {  	_ =	shalt  }
0x7e: {  	_ =	shalt  }
0x7f: {  	_ =	shalt  }
0x80: {  	_ =	shalt  }
0x81: {  	_ =	shalt  }
0x82: {  	_ =	shalt  }
0x83: {  	_ =	shalt  }
0x84: {  	_ =	shalt  }
0x85: {  	_ =	shalt  }
0x86: {  	_ =	shalt  }
0x87: {  	_ =	shalt  }
.Lfunc_end0:
.L_simem_size_0:
called_computation.1_lowered:
.L_overlay_start_0:
0x88: {  	s2 =	sld [smem:$0x3FD9]  }
0x89: {  	s3 =	sld [smem:$0x3FFE];
	_ =	sdelay $0x1  }
0x8a: {  	s1 =	srdreg.scid  }
0x8b: {  	s0 =	sand.u32 $0x1, s1  }
0x8c: {  	s17 =	sshll.u32 s0, $0xA;
	s2 =	sadd.s32 s3, s2  }
0x8d: {  	s2 =	sadd.s32 s2, s17  }
0x8e: {  	[smem:$0x3FBC] =	sst s2  }
0x8f: {  	_ = 	snop  }
0x90: {  	s2 =	sld [smem:$0x3FD0];
	(tm) =	ssettm $0x1  }
0x91: {  	s18 =	sld [smem:$0x3FFB];
	_ =	sdelay $0x3  }
0x92: {  	_ =	strace s18  }
0x93: {  	s3 =	sld [smem:$0x3FFC];
	_ =	sdelay $0x3  }
0x94: {  	_ =	strace s3  }
0x95: {  	s3 =	sld [smem:$0x3FFD];
	_ =	sdelay $0x3  }
0x96: {  	_ =	strace s3  }
0x97: {  	_ =	strace $0x8FFFFFFF  }
0x98: {  	s19 =	sld [smem:$0x3FDB];
	_ =	sdelay $0x1  }
0x99: {  	s4 =	simm.s32 $_scs_section_size  }
0x9a: {  	s5 =	simm.s32 $_size__tile_overlayer_lowered;
	s6 =	simm.s32 $_tile_overlayer_lowered  }
0x9b: {  	s22 =	simm.s32 $0x1BFF;
	s21 =	sshll.u32 s6, $0x1;
	s3 =	sadd.s32 s4, s19  }
0x9c: {  	s7 =	simm.s32 $0x0;
	s20 =	sshll.u32 s5, $0x1;
	s5 =	sadd.s32 s21, s3  }
0x9d: {  	[timem:s7], [sflag:s22] =	dma.local [hbm:s5], s20  }
0x9e: {  	_ =	swait.ge [sflag:s22], s20  }
0x9f: {  	s4 =	ssub.s32 $0x0, s20;
	[sflag:s22] =	ssyncset.done $0x0  }
0xa0: {  	[sflag:s22] =	ssyncadd.s32 s4;
	_ =	sdelay $0x1  }
0xa1: {  	s23 =	simm.s32 $0x1B8B  }
0xa2: {  	_ =	swait.ge [sflag:s23], $0x1  }
0xa3: {  	[sflag:s23] =	ssyncset.done $0x0  }
0xa4: {  	s25 =	simm.s32 $0x1B8E;
	s24 =	sld [smem:$0x3FFE];
	[sflag:s23] =	ssyncadd.s32 $0xFFFFFFFF  }
0xa5: {  	s26 =	simm.s32 $execute0_lowered;
	[smem:$0x3FD2] =	sst s25  }
0xa6: {  	s5 =	sshll.u32 s26, $0x1;
	_ =	strace $0x80000046;
	[dreg:$0x1] =	wrdreg $0xFFFFFFFF  }
0xa7: {  	s28 =	simm.s32 $_size_execute0_lowered;
	s3 =	sadd.s32 s3, s5;
	[dreg:$0x0] =	wrdreg $0x0  }
0xa8: {  	s5 =	sshll.u32 s28, $0x1;
	[dreg:$0x2] =	wrdreg s3  }
0xa9: {  	[dreg:$0x3] =	wrdreg s5  }
0xaa: {  	[dreg:$0x4] =	wrdreg $0xC0  }
0xab: {  	_ =	task [dreg:s7], $0x5FFFF  }
0xac: {  	[dreg:$0x1] =	wrdreg $0xFFFFFFFF  }
0xad: {  	[dreg:$0x0] =	wrdreg $0x60  }
0xae: {  	[dreg:$0x2] =	wrdreg s24  }
0xaf: {  	[dreg:$0x3] =	wrdreg s2  }
0xb0: {  	[dreg:$0x4] =	wrdreg $0x50000  }
0xb1: {  	[dreg:$0x5] =	wrdreg $0x9  }
0xb2: {  	_ =	task.clear_ibuf [dreg:s7], $0x6FFFF;
	_ =	strace $0x90000046  }
0xb3: {  	s29 =	simm.s32 $0x9;
	_ =	strace $0x80000048  }
0xb4: {  	_ =	swait.ge [sflag:s29], $0x1  }
0xb5: {  	[sflag:s29] =	ssyncadd.s32 $0xFFFFFFFF  }
0xb6: {  	_ =	strace $0x90000048  }
0xb7: {  	_ =	sfence  }
0xb8: {  	s30 =	sld [smem:$0x0];
	_ =	sdelay $0x2  }
0xb9: {  	s31 =	sshll.u32 s1, $0xD;
	s1 =	sshrl.u32 s1, $0x2  }
0xba: {  	s3 =	sand.u32 $0x4000, s31;
	s1 =	sadd.s32 s1, s30  }
0xbb: {  	s0 =	sor.u32 s3, s0;
	s1 =	sshll.u32 s1, $0x11  }
0xbc: {  	s0 =	sor.u32 s1, s0  }
0xbd: {  	s0 =	sadd.s32 $0x8F2B, s0  }
0xbe: {  	[sflag:s0] =	ssyncadd.remote.s32 $0x1  }
0xbf: {  	_ =	sfence.sel $0xFFFF  }
0xc0: {  	[dreg:$0x0] =	wrdreg $0xFFFFFFFF;
	(pc) =	sbr.abs _section_cstart, $3  }
0xc1: {  	[dreg:$0x1] =	wrdreg $0xFFFFFFFF  }
0xc2: {  	_ =	task.clear_ibuf [dreg:s7], $0x2FFFF;
	_ =	strace $0x9FFFFFFF  }
0xc3: {  	(tm) =	ssettm $0x7FFFFFFF  }
tec
execute0_lowered:
.L_overlay_start_1:
0x0: {  	(tag) =	ssettag $0x1  }
0x1: {  	s0 =	rddreg [dreg:$0x0];
	s1 =	srdreg.scid  }
0x2: {  	s10 =	stileid.u32;
	s3 =	rddreg [dreg:$0x2]  }
0x3: {  	s4 =	simm.s32 $0x0;
	s9 =	simm.s32 $0x1000;
	s13 =	simm.s32 $0x80  }
0x4: {  	s14 =	simm.s32 $0x180;
	s15 =	simm.s32 $0x280;
	s16 =	simm.s32 $0x380  }
0x5: {  	s17 =	simm.s32 $0x480;
	s18 =	simm.s32 $0x580;
	s19 =	simm.s32 $0x680  }
0x6: {  	s20 =	simm.s32 $0x780;
	s21 =	simm.s32 $0x880;
	s22 =	simm.s32 $0x980  }
0x7: {  	s28 =	simm.s32 $0xE80;
	s29 =	simm.s32 $0xF80;
	s5 =	smul.u32 $0xA000, s10  }
0x8: {  	s30 =	simm.s32 $0x1;
	s31 =	simm.s32 $0x0;
	s6 =	smul.u32 $0x13C00, s10  }
0x9: {  	s1 =	sand.u32 $0x1, s1;
	[smem:$0x7FF] =	sst s4;
	s7 =	smul.u32 $0x4F000, s10  }
0xa: {  	s24 =	sadd.s32 $0x52000, s0;
	s26 =	sshll.u32 s10, $0x6;
	s2 =	smul.u32 $0xA0000, s1  }
0xb: {  	s10 =	simm.s32 $0x2;
	s23 =	smul.u32 $0x13C000, s1;
	_ =	strace $0x80000047  }
0xc: {  	s1 =	ssub.s32 $0x2, s1;
	[dreg:$0x4] =	wrdreg s24;
	s11 =	sor.u32 $0x1C02, s26  }
0xd: {  	s24 =	simm.s32 $0xB80;
	s26 =	simm.s32 $0xD80;
	s8 =	sshrl.u32 s1, $0x1  }
0xe: {  	s25 =	sshrl.u32 s7, $0x2;
	s2 =	sadd.s32 s5, s2;
	s6 =	sadd.s32 s6, s23  }
0xf: {  	s1 =	ssub.s32 s1, s8;
	s12 =	sadd.s32 s25, s3;
	s23 =	simm.s32 $0xA80  }
0x10: {  	s25 =	simm.s32 $0xC80;
	s2 =	sshrl.u32 s2, $0x3;
	s6 =	sshrl.u32 s6, $0x3  }
0x11: {  	s7 =	smax.u32 s1, $0x1;
	s2 =	sadd.s32 s2, s0;
	s0 =	sadd.s32 s6, s0  }
0x12: {  	s12 =	sshrl.u32 s12, $0x3;
	s6 =	sadd.s32 $0x54800, s0;
	s8 =	sadd.s32 $0x2A000, s2  }
.LBB2_1:
0x13: {  	s0 =	rddreg [dreg:$0x1]  }
0x14: {  	[tilespmem:s9], [sflag:$0x2] =	stream.linear.gather [hbm4b:s0+s4], $0x4000, $0x38;
	[tilespmem:$0x18C00] =	vst v63  }
0x15: {  	_ =	swait.ge [sflag:s10], $0x4000  }
0x16: {  	[sflag:s10] =	ssyncset.done $0x0  }
0x17: {  	s2 =	rddreg [dreg:$0x4];
	[sflag:s10] =	ssyncadd.s32 $0xFFFFC000  }
0x18: {  	[spmem:s12], [sflag:s11] =	dma.local [hbm:s2], $0x2780  }
0x19: {  	_ =	swait.ge [sflag:s10], $0x2780  }
0x1a: {  	[sflag:s10] =	ssyncset.done $0x0  }
0x1b: {  	[sflag:s10] =	ssyncadd.s32 $0xFFFFD880  }
0x1c: {  	s5 =	sadd.s32 $0x0, s8;
	[bflag:$0x0] =	sbarrier.arrive $0xFFFF  }
0x1d: {  	[tilespmem:s4], [sflag:$0x2] =	stream.linear.gather [hbm4b:s5+s4], $0x1000, $0x38;
	[tilespmem:$0x18C00] =	vst v63  }
0x1e: {  	_ =	swait.ge [sflag:s10], $0x1000  }
0x1f: {  	[sflag:s10] =	ssyncset.done $0x0  }
0x20: {  	[sflag:s10] =	ssyncadd.s32 $0xFFFFF000  }
0x21: {  	[spmem:s3] =	stream.indirect.scatter.add.f32 [tilespmem:s9], [sflag:$0x1], $0x80, s13, s13, $0xb8;
	[tilespmem:$0x18C00] =	vst v63  }
0x22: {  	_ = 	snop  }
0x23: {  	[spmem:s3] =	stream.indirect.scatter.add.f32 [tilespmem:s9], [sflag:$0x1], $0x80, s14, s13, $0xb8;
	[tilespmem:$0x18C00] =	vst v63  }
0x24: {  	_ = 	snop  }
0x25: {  	[spmem:s3] =	stream.indirect.scatter.add.f32 [tilespmem:s9], [sflag:$0x1], $0x80, s15, s13, $0xb8;
	[tilespmem:$0x18C00] =	vst v63  }
0x26: {  	_ = 	snop  }
0x27: {  	[spmem:s3] =	stream.indirect.scatter.add.f32 [tilespmem:s9], [sflag:$0x1], $0x80, s16, s13, $0xb8;
	[tilespmem:$0x18C00] =	vst v63  }
0x28: {  	_ = 	snop  }
0x29: {  	[spmem:s3] =	stream.indirect.scatter.add.f32 [tilespmem:s9], [sflag:$0x1], $0x80, s17, s13, $0xb8;
	[tilespmem:$0x18C00] =	vst v63  }
0x2a: {  	_ = 	snop  }
0x2b: {  	[spmem:s3] =	stream.indirect.scatter.add.f32 [tilespmem:s9], [sflag:$0x1], $0x80, s18, s13, $0xb8;
	[tilespmem:$0x18C00] =	vst v63  }
0x2c: {  	_ = 	snop  }
0x2d: {  	[spmem:s3] =	stream.indirect.scatter.add.f32 [tilespmem:s9], [sflag:$0x1], $0x80, s19, s13, $0xb8;
	[tilespmem:$0x18C00] =	vst v63  }
0x2e: {  	_ = 	snop  }
0x2f: {  	[spmem:s3] =	stream.indirect.scatter.add.f32 [tilespmem:s9], [sflag:$0x1], $0x80, s20, s13, $0xb8;
	[tilespmem:$0x18C00] =	vst v63  }
0x30: {  	_ = 	snop  }
0x31: {  	[spmem:s3] =	stream.indirect.scatter.add.f32 [tilespmem:s9], [sflag:$0x1], $0x80, s21, s13, $0xb8;
	[tilespmem:$0x18C00] =	vst v63  }
0x32: {  	_ = 	snop  }
0x33: {  	[spmem:s3] =	stream.indirect.scatter.add.f32 [tilespmem:s9], [sflag:$0x1], $0x80, s22, s13, $0xb8;
	[tilespmem:$0x18C00] =	vst v63  }
0x34: {  	_ = 	snop  }
0x35: {  	[spmem:s3] =	stream.indirect.scatter.add.f32 [tilespmem:s9], [sflag:$0x1], $0x80, s23, s13, $0xb8;
	[tilespmem:$0x18C00] =	vst v63  }
0x36: {  	_ = 	snop  }
0x37: {  	[spmem:s3] =	stream.indirect.scatter.add.f32 [tilespmem:s9], [sflag:$0x1], $0x80, s24, s13, $0xb8;
	[tilespmem:$0x18C00] =	vst v63  }
0x38: {  	_ = 	snop  }
0x39: {  	[spmem:s3] =	stream.indirect.scatter.add.f32 [tilespmem:s9], [sflag:$0x1], $0x80, s25, s13, $0xb8;
	[tilespmem:$0x18C00] =	vst v63  }
0x3a: {  	_ = 	snop  }
0x3b: {  	[spmem:s3] =	stream.indirect.scatter.add.f32 [tilespmem:s9], [sflag:$0x1], $0x80, s26, s13, $0xb8;
	[tilespmem:$0x18C00] =	vst v63  }
0x3c: {  	_ = 	snop  }
0x3d: {  	[spmem:s3] =	stream.indirect.scatter.add.f32 [tilespmem:s9], [sflag:$0x1], $0x80, s28, s13, $0xb8;
	[tilespmem:$0x18C00] =	vst v63  }
0x3e: {  	_ = 	snop  }
0x3f: {  	[spmem:s3] =	stream.indirect.scatter.add.f32 [tilespmem:s9], [sflag:$0x1], $0x80, s29, s13, $0xb8;
	[tilespmem:$0x18C00] =	vst v63  }
0x40: {  	_ =	swait.ge [sflag:s30], $0x4000  }
0x41: {  	[sflag:s30] =	ssyncset.done $0x0  }
0x42: {  	[sflag:s30] =	ssyncadd.s32 $0xFFFFC000  }
0x43: {  	_ =	swait.ge [sflag:s30], $0x4000  }
0x44: {  	[sflag:s30] =	ssyncset.done $0x0  }
0x45: {  	[sflag:s30] =	ssyncadd.s32 $0xFFFFC000  }
0x46: {  	_ =	swait.ge [sflag:s30], $0x4000  }
0x47: {  	[sflag:s30] =	ssyncset.done $0x0  }
0x48: {  	[sflag:s30] =	ssyncadd.s32 $0xFFFFC000  }
0x49: {  	_ =	swait.ge [sflag:s30], $0x4000  }
0x4a: {  	[sflag:s30] =	ssyncset.done $0x0  }
0x4b: {  	[sflag:s30] =	ssyncadd.s32 $0xFFFFC000  }
0x4c: {  	_ =	swait.ge [sflag:s30], $0x4000  }
0x4d: {  	[sflag:s30] =	ssyncset.done $0x0  }
0x4e: {  	[sflag:s30] =	ssyncadd.s32 $0xFFFFC000  }
0x4f: {  	_ =	swait.ge [sflag:s30], $0x4000  }
0x50: {  	[sflag:s30] =	ssyncset.done $0x0  }
0x51: {  	[sflag:s30] =	ssyncadd.s32 $0xFFFFC000  }
0x52: {  	_ =	swait.ge [sflag:s30], $0x4000  }
0x53: {  	[sflag:s30] =	ssyncset.done $0x0  }
0x54: {  	[sflag:s30] =	ssyncadd.s32 $0xFFFFC000  }
0x55: {  	_ =	swait.ge [sflag:s30], $0x4000  }
0x56: {  	[sflag:s30] =	ssyncset.done $0x0  }
0x57: {  	[sflag:s30] =	ssyncadd.s32 $0xFFFFC000  }
0x58: {  	_ =	swait.ge [sflag:s30], $0x4000  }
0x59: {  	[sflag:s30] =	ssyncset.done $0x0  }
0x5a: {  	[sflag:s30] =	ssyncadd.s32 $0xFFFFC000  }
0x5b: {  	_ =	swait.ge [sflag:s30], $0x4000  }
0x5c: {  	[sflag:s30] =	ssyncset.done $0x0  }
0x5d: {  	[sflag:s30] =	ssyncadd.s32 $0xFFFFC000  }
0x5e: {  	_ =	swait.ge [sflag:s30], $0x4000  }
0x5f: {  	[sflag:s30] =	ssyncset.done $0x0  }
0x60: {  	[sflag:s30] =	ssyncadd.s32 $0xFFFFC000  }
0x61: {  	_ =	swait.ge [sflag:s30], $0x4000  }
0x62: {  	[sflag:s30] =	ssyncset.done $0x0  }
0x63: {  	[sflag:s30] =	ssyncadd.s32 $0xFFFFC000  }
0x64: {  	_ =	swait.ge [sflag:s30], $0x4000  }
0x65: {  	[sflag:s30] =	ssyncset.done $0x0  }
0x66: {  	[sflag:s30] =	ssyncadd.s32 $0xFFFFC000  }
0x67: {  	_ =	swait.ge [sflag:s30], $0x4000  }
0x68: {  	[sflag:s30] =	ssyncset.done $0x0  }
0x69: {  	[sflag:s30] =	ssyncadd.s32 $0xFFFFC000  }
0x6a: {  	_ =	swait.ge [sflag:s30], $0x4000  }
0x6b: {  	[sflag:s30] =	ssyncset.done $0x0  }
0x6c: {  	[sflag:s30] =	ssyncadd.s32 $0xFFFFC000  }
0x6d: {  	_ =	swait.ge [sflag:s30], $0x4000  }
0x6e: {  	s1 =	simm.s32 $0x200;
	s0 =	simm.s32 $0x400;
	[sflag:s30] =	ssyncset.done $0x0  }
.LBB2_2:
0x6f: {  	s5 =	sadd.s32 s1, s8  }
0x70: {  	[sflag:s30] =	ssyncadd.s32 $0xFFFFC000;
	s1 =	smov.u32 s0;
	s2 =	sadd.s32 $0x200, s0  }
0x71: {  	[tilespmem:s4], [sflag:$0x2] =	stream.linear.gather [hbm4b:s5+s4], $0x1000, $0x38;
	[tilespmem:$0x18C00] =	vst v63  }
0x72: {  	p0 =	sne.s32 s0, $0x1200;
	_ =	swait.ge [sflag:s10], $0x1000  }
0x73: {  	[sflag:s10] =	ssyncset.done $0x0  }
0x74: {  	[sflag:s10] =	ssyncadd.s32 $0xFFFFF000  }
0x75: {  	[spmem:s3] =	stream.indirect.scatter.add.f32 [tilespmem:s9], [sflag:$0x1], $0x80, s13, s13, $0xb8;
	[tilespmem:$0x18C00] =	vst v63  }
0x76: {  	_ = 	snop  }
0x77: {  	[spmem:s3] =	stream.indirect.scatter.add.f32 [tilespmem:s9], [sflag:$0x1], $0x80, s14, s13, $0xb8;
	[tilespmem:$0x18C00] =	vst v63  }
0x78: {  	_ = 	snop  }
0x79: {  	[spmem:s3] =	stream.indirect.scatter.add.f32 [tilespmem:s9], [sflag:$0x1], $0x80, s15, s13, $0xb8;
	[tilespmem:$0x18C00] =	vst v63  }
0x7a: {  	_ = 	snop  }
0x7b: {  	[spmem:s3] =	stream.indirect.scatter.add.f32 [tilespmem:s9], [sflag:$0x1], $0x80, s16, s13, $0xb8;
	[tilespmem:$0x18C00] =	vst v63  }
0x7c: {  	_ = 	snop  }
0x7d: {  	[spmem:s3] =	stream.indirect.scatter.add.f32 [tilespmem:s9], [sflag:$0x1], $0x80, s17, s13, $0xb8;
	[tilespmem:$0x18C00] =	vst v63  }
0x7e: {  	_ = 	snop  }
0x7f: {  	[spmem:s3] =	stream.indirect.scatter.add.f32 [tilespmem:s9], [sflag:$0x1], $0x80, s18, s13, $0xb8;
	[tilespmem:$0x18C00] =	vst v63  }
0x80: {  	_ = 	snop  }
0x81: {  	[spmem:s3] =	stream.indirect.scatter.add.f32 [tilespmem:s9], [sflag:$0x1], $0x80, s19, s13, $0xb8;
	[tilespmem:$0x18C00] =	vst v63  }
0x82: {  	_ = 	snop  }
0x83: {  	[spmem:s3] =	stream.indirect.scatter.add.f32 [tilespmem:s9], [sflag:$0x1], $0x80, s20, s13, $0xb8;
	[tilespmem:$0x18C00] =	vst v63  }
0x84: {  	_ = 	snop  }
0x85: {  	[spmem:s3] =	stream.indirect.scatter.add.f32 [tilespmem:s9], [sflag:$0x1], $0x80, s21, s13, $0xb8;
	[tilespmem:$0x18C00] =	vst v63  }
0x86: {  	_ = 	snop  }
0x87: {  	[spmem:s3] =	stream.indirect.scatter.add.f32 [tilespmem:s9], [sflag:$0x1], $0x80, s22, s13, $0xb8;
	[tilespmem:$0x18C00] =	vst v63  }
0x88: {  	_ = 	snop  }
0x89: {  	[spmem:s3] =	stream.indirect.scatter.add.f32 [tilespmem:s9], [sflag:$0x1], $0x80, s23, s13, $0xb8;
	[tilespmem:$0x18C00] =	vst v63  }
0x8a: {  	_ = 	snop  }
0x8b: {  	[spmem:s3] =	stream.indirect.scatter.add.f32 [tilespmem:s9], [sflag:$0x1], $0x80, s24, s13, $0xb8;
	[tilespmem:$0x18C00] =	vst v63  }
0x8c: {  	_ = 	snop  }
0x8d: {  	[spmem:s3] =	stream.indirect.scatter.add.f32 [tilespmem:s9], [sflag:$0x1], $0x80, s25, s13, $0xb8;
	[tilespmem:$0x18C00] =	vst v63  }
0x8e: {  	_ = 	snop  }
0x8f: {  	[spmem:s3] =	stream.indirect.scatter.add.f32 [tilespmem:s9], [sflag:$0x1], $0x80, s26, s13, $0xb8;
	[tilespmem:$0x18C00] =	vst v63  }
0x90: {  	_ = 	snop  }
0x91: {  	[spmem:s3] =	stream.indirect.scatter.add.f32 [tilespmem:s9], [sflag:$0x1], $0x80, s28, s13, $0xb8;
	[tilespmem:$0x18C00] =	vst v63  }
0x92: {  	_ = 	snop  }
0x93: {  	[spmem:s3] =	stream.indirect.scatter.add.f32 [tilespmem:s9], [sflag:$0x1], $0x80, s29, s13, $0xb8;
	[tilespmem:$0x18C00] =	vst v63  }
0x94: {  	_ =	swait.ge [sflag:s30], $0x4000  }
0x95: {  	[sflag:s30] =	ssyncset.done $0x0  }
0x96: {  	[sflag:s30] =	ssyncadd.s32 $0xFFFFC000  }
0x97: {  	_ =	swait.ge [sflag:s30], $0x4000  }
0x98: {  	[sflag:s30] =	ssyncset.done $0x0  }
0x99: {  	[sflag:s30] =	ssyncadd.s32 $0xFFFFC000  }
0x9a: {  	_ =	swait.ge [sflag:s30], $0x4000  }
0x9b: {  	[sflag:s30] =	ssyncset.done $0x0  }
0x9c: {  	[sflag:s30] =	ssyncadd.s32 $0xFFFFC000  }
0x9d: {  	_ =	swait.ge [sflag:s30], $0x4000  }
0x9e: {  	[sflag:s30] =	ssyncset.done $0x0  }
0x9f: {  	[sflag:s30] =	ssyncadd.s32 $0xFFFFC000  }
0xa0: {  	_ =	swait.ge [sflag:s30], $0x4000  }
0xa1: {  	[sflag:s30] =	ssyncset.done $0x0  }
0xa2: {  	[sflag:s30] =	ssyncadd.s32 $0xFFFFC000  }
0xa3: {  	_ =	swait.ge [sflag:s30], $0x4000  }
0xa4: {  	[sflag:s30] =	ssyncset.done $0x0  }
0xa5: {  	[sflag:s30] =	ssyncadd.s32 $0xFFFFC000  }
0xa6: {  	_ =	swait.ge [sflag:s30], $0x4000  }
0xa7: {  	[sflag:s30] =	ssyncset.done $0x0  }
0xa8: {  	[sflag:s30] =	ssyncadd.s32 $0xFFFFC000  }
0xa9: {  	_ =	swait.ge [sflag:s30], $0x4000  }
0xaa: {  	[sflag:s30] =	ssyncset.done $0x0  }
0xab: {  	[sflag:s30] =	ssyncadd.s32 $0xFFFFC000  }
0xac: {  	_ =	swait.ge [sflag:s30], $0x4000  }
0xad: {  	[sflag:s30] =	ssyncset.done $0x0  }
0xae: {  	[sflag:s30] =	ssyncadd.s32 $0xFFFFC000  }
0xaf: {  	_ =	swait.ge [sflag:s30], $0x4000  }
0xb0: {  	[sflag:s30] =	ssyncset.done $0x0  }
0xb1: {  	[sflag:s30] =	ssyncadd.s32 $0xFFFFC000  }
0xb2: {  	_ =	swait.ge [sflag:s30], $0x4000  }
0xb3: {  	[sflag:s30] =	ssyncset.done $0x0  }
0xb4: {  	[sflag:s30] =	ssyncadd.s32 $0xFFFFC000  }
0xb5: {  	_ =	swait.ge [sflag:s30], $0x4000  }
0xb6: {  	[sflag:s30] =	ssyncset.done $0x0  }
0xb7: {  	[sflag:s30] =	ssyncadd.s32 $0xFFFFC000  }
0xb8: {  	_ =	swait.ge [sflag:s30], $0x4000  }
0xb9: {  	[sflag:s30] =	ssyncset.done $0x0  }
0xba: {  	[sflag:s30] =	ssyncadd.s32 $0xFFFFC000  }
0xbb: {  	_ =	swait.ge [sflag:s30], $0x4000  }
0xbc: {  	[sflag:s30] =	ssyncset.done $0x0  }
0xbd: {  	[sflag:s30] =	ssyncadd.s32 $0xFFFFC000  }
.Ltmp0:
0xbe: {  	_ =	swait.ge [sflag:s30], $0x4000;
	(pc) =	sbr.rel @p0 .LBB2_2-.Ltmp0, $4  }
0xbf: {  	[sflag:s30] =	ssyncset.done $0x0  }
0xc0: {  	[sflag:s30] =	ssyncadd.s32 $0xFFFFC000  }
0xc1: {  	_ =	swait.ge [sflag:s30], $0x4000  }
0xc2: {  	s0 =	smov.u32 s2;
	[sflag:s30] =	ssyncset.done $0x0  }
0xc3: {  	s0 =	sadd.s32 s1, s8;
	[sflag:s30] =	ssyncadd.s32 $0xFFFFC000  }
0xc4: {  	[tilespmem:s4], [sflag:$0x2] =	stream.linear.gather [hbm4b:s0+s4], $0x1000, $0x38;
	[tilespmem:$0x18C00] =	vst v63  }
0xc5: {  	_ =	swait.ge [sflag:s10], $0x1000  }
0xc6: {  	[sflag:s10] =	ssyncset.done $0x0  }
0xc7: {  	[sflag:s10] =	ssyncadd.s32 $0xFFFFF000  }
0xc8: {  	[spmem:s3] =	stream.indirect.scatter.add.f32 [tilespmem:s9], [sflag:$0x1], $0x80, s13, s13, $0xb8;
	[tilespmem:$0x18C00] =	vst v63  }
0xc9: {  	_ = 	snop  }
0xca: {  	[spmem:s3] =	stream.indirect.scatter.add.f32 [tilespmem:s9], [sflag:$0x1], $0x80, s14, s13, $0xb8;
	[tilespmem:$0x18C00] =	vst v63  }
0xcb: {  	_ = 	snop  }
0xcc: {  	[spmem:s3] =	stream.indirect.scatter.add.f32 [tilespmem:s9], [sflag:$0x1], $0x80, s15, s13, $0xb8;
	[tilespmem:$0x18C00] =	vst v63  }
0xcd: {  	_ = 	snop  }
0xce: {  	[spmem:s3] =	stream.indirect.scatter.add.f32 [tilespmem:s9], [sflag:$0x1], $0x80, s16, s13, $0xb8;
	[tilespmem:$0x18C00] =	vst v63  }
0xcf: {  	_ = 	snop  }
0xd0: {  	[spmem:s3] =	stream.indirect.scatter.add.f32 [tilespmem:s9], [sflag:$0x1], $0x80, s17, s13, $0xb8;
	[tilespmem:$0x18C00] =	vst v63  }
0xd1: {  	_ = 	snop  }
0xd2: {  	[spmem:s3] =	stream.indirect.scatter.add.f32 [tilespmem:s9], [sflag:$0x1], $0x80, s18, s13, $0xb8;
	[tilespmem:$0x18C00] =	vst v63  }
0xd3: {  	_ = 	snop  }
0xd4: {  	[spmem:s3] =	stream.indirect.scatter.add.f32 [tilespmem:s9], [sflag:$0x1], $0x80, s19, s13, $0xb8;
	[tilespmem:$0x18C00] =	vst v63  }
0xd5: {  	_ = 	snop  }
0xd6: {  	[spmem:s3] =	stream.indirect.scatter.add.f32 [tilespmem:s9], [sflag:$0x1], $0x80, s20, s13, $0xb8;
	[tilespmem:$0x18C00] =	vst v63  }
0xd7: {  	_ = 	snop  }
0xd8: {  	[spmem:s3] =	stream.indirect.scatter.add.f32 [tilespmem:s9], [sflag:$0x1], $0x80, s21, s13, $0xb8;
	[tilespmem:$0x18C00] =	vst v63  }
0xd9: {  	_ = 	snop  }
0xda: {  	[spmem:s3] =	stream.indirect.scatter.add.f32 [tilespmem:s9], [sflag:$0x1], $0x80, s22, s13, $0xb8;
	[tilespmem:$0x18C00] =	vst v63  }
0xdb: {  	_ = 	snop  }
0xdc: {  	[spmem:s3] =	stream.indirect.scatter.add.f32 [tilespmem:s9], [sflag:$0x1], $0x80, s23, s13, $0xb8;
	[tilespmem:$0x18C00] =	vst v63  }
0xdd: {  	_ = 	snop  }
0xde: {  	[spmem:s3] =	stream.indirect.scatter.add.f32 [tilespmem:s9], [sflag:$0x1], $0x80, s24, s13, $0xb8;
	[tilespmem:$0x18C00] =	vst v63  }
0xdf: {  	_ = 	snop  }
0xe0: {  	[spmem:s3] =	stream.indirect.scatter.add.f32 [tilespmem:s9], [sflag:$0x1], $0x80, s25, s13, $0xb8;
	[tilespmem:$0x18C00] =	vst v63  }
0xe1: {  	_ = 	snop  }
0xe2: {  	[spmem:s3] =	stream.indirect.scatter.add.f32 [tilespmem:s9], [sflag:$0x1], $0x80, s26, s13, $0xb8;
	[tilespmem:$0x18C00] =	vst v63  }
0xe3: {  	_ = 	snop  }
0xe4: {  	[spmem:s3] =	stream.indirect.scatter.add.f32 [tilespmem:s9], [sflag:$0x1], $0x80, s28, s13, $0xb8;
	[tilespmem:$0x18C00] =	vst v63  }
0xe5: {  	_ = 	snop  }
0xe6: {  	[spmem:s3] =	stream.indirect.scatter.add.f32 [tilespmem:s9], [sflag:$0x1], $0x80, s29, s13, $0xb8;
	[tilespmem:$0x18C00] =	vst v63  }
0xe7: {  	_ =	swait.ge [sflag:s30], $0x4000  }
0xe8: {  	[sflag:s30] =	ssyncset.done $0x0  }
0xe9: {  	[sflag:s30] =	ssyncadd.s32 $0xFFFFC000  }
0xea: {  	_ =	swait.ge [sflag:s30], $0x4000  }
0xeb: {  	[sflag:s30] =	ssyncset.done $0x0  }
0xec: {  	[sflag:s30] =	ssyncadd.s32 $0xFFFFC000  }
0xed: {  	_ =	swait.ge [sflag:s30], $0x4000  }
0xee: {  	[sflag:s30] =	ssyncset.done $0x0  }
0xef: {  	[sflag:s30] =	ssyncadd.s32 $0xFFFFC000  }
0xf0: {  	_ =	swait.ge [sflag:s30], $0x4000  }
0xf1: {  	[sflag:s30] =	ssyncset.done $0x0  }
0xf2: {  	[sflag:s30] =	ssyncadd.s32 $0xFFFFC000  }
0xf3: {  	_ =	swait.ge [sflag:s30], $0x4000  }
0xf4: {  	[sflag:s30] =	ssyncset.done $0x0  }
0xf5: {  	[sflag:s30] =	ssyncadd.s32 $0xFFFFC000  }
0xf6: {  	_ =	swait.ge [sflag:s30], $0x4000  }
0xf7: {  	[sflag:s30] =	ssyncset.done $0x0  }
0xf8: {  	[sflag:s30] =	ssyncadd.s32 $0xFFFFC000  }
0xf9: {  	_ =	swait.ge [sflag:s30], $0x4000  }
0xfa: {  	[sflag:s30] =	ssyncset.done $0x0  }
0xfb: {  	[sflag:s30] =	ssyncadd.s32 $0xFFFFC000  }
0xfc: {  	_ =	swait.ge [sflag:s30], $0x4000  }
0xfd: {  	[sflag:s30] =	ssyncset.done $0x0  }
0xfe: {  	[sflag:s30] =	ssyncadd.s32 $0xFFFFC000  }
0xff: {  	_ =	swait.ge [sflag:s30], $0x4000  }
0x100: {  	[sflag:s30] =	ssyncset.done $0x0  }
0x101: {  	[sflag:s30] =	ssyncadd.s32 $0xFFFFC000  }
0x102: {  	_ =	swait.ge [sflag:s30], $0x4000  }
0x103: {  	[sflag:s30] =	ssyncset.done $0x0  }
0x104: {  	[sflag:s30] =	ssyncadd.s32 $0xFFFFC000  }
0x105: {  	_ =	swait.ge [sflag:s30], $0x4000  }
0x106: {  	[sflag:s30] =	ssyncset.done $0x0  }
0x107: {  	[sflag:s30] =	ssyncadd.s32 $0xFFFFC000  }
0x108: {  	_ =	swait.ge [sflag:s30], $0x4000  }
0x109: {  	[sflag:s30] =	ssyncset.done $0x0  }
0x10a: {  	[sflag:s30] =	ssyncadd.s32 $0xFFFFC000  }
0x10b: {  	_ =	swait.ge [sflag:s30], $0x4000  }
0x10c: {  	[sflag:s30] =	ssyncset.done $0x0  }
0x10d: {  	[sflag:s30] =	ssyncadd.s32 $0xFFFFC000  }
0x10e: {  	_ =	swait.ge [sflag:s30], $0x4000  }
0x10f: {  	[sflag:s30] =	ssyncset.done $0x0  }
0x110: {  	[sflag:s30] =	ssyncadd.s32 $0xFFFFC000  }
0x111: {  	_ =	swait.ge [sflag:s30], $0x4000  }
0x112: {  	[sflag:s30] =	ssyncset.done $0x0  }
0x113: {  	[sflag:s30] =	ssyncadd.s32 $0xFFFFC000  }
0x114: {  	_ =	swait.ge [sflag:s30], $0x4000  }
0x115: {  	s31 =	sadd.s32 $0x1, s31;
	[sflag:s30] =	ssyncset.done $0x0  }
0x116: {  	p0 =	sne.s32 s31, s7;
	[sflag:s30] =	ssyncadd.s32 $0xFFFFC000  }
.Ltmp1:
0x117: {  	[bflag:$0x0] =	sbarrier.arrive $0xFFFF;
	(pc) =	sbr.rel @p0 .LBB2_1-.Ltmp1, $4  }
0x118: {  	[hbm:s6], [sflag:s11] =	dma.local [spmem:s12], $0x2780  }
0x119: {  	_ =	swait.ge [sflag:s10], $0x2780  }
0x11a: {  	[sflag:s10] =	ssyncset.done $0x0  }
0x11b: {  	[sflag:s10] =	ssyncadd.s32 $0xFFFFD880  }
0x11c: {  	_ =	sfence.sel $0x180000  }
0x11d: {  	[bflag:$0x0] =	sbarrier.arrive $0xFFFF  }
0x11e: {  	_ =	strace $0x90000047  }
0x11f: {  	s0 =	stileid.u32;
	[bflag:$0x2] =	sbarrier.arrive $0xFFFF  }
0x120: {  	p0 =	sne.s32 s0, $0x0;
	s0 =	rddreg [dreg:$0x3]  }
0x121: {  	s0 =	sadd.s32 @!p0 $0x100000, s0  }
0x122: {  	[sflag:s0] =	ssyncadd.tile.s32 @!p0 $0x1;
	_ =	shalt  }
.Lfunc_end2:
_tile_overlayer_lowered:
.L_overlay_start_2:
0x123: {  	(tag) =	ssettag $0x2  }
0x124: {  	s0 =	rddreg [dreg:$0x0];
	s2 =	stileid.u32  }
0x125: {  	s1 =	rddreg [dreg:$0x1];
	p0 =	sne.s32 s2, $0x0  }
0x126: {  	s3 =	rddreg [dreg:$0x2];
	[bflag:$0x3] =	sbarrier.arrive $0xFFFF;
	s2 =	simm.s32 @!p0 $0x1C02  }
0x127: {  	[timem:s3], [sflag:s2] =	dma.local @!p0 [hbm:s0], s1  }
0x128: {  	s0 =	simm.s32 @!p0 $0x2  }
0x129: {  	_ =	swait.ge @!p0 [sflag:s0], s1  }
0x12a: {  	s1 =	ssub.s32 @!p0 $0x0, s1;
	[sflag:s0] =	ssyncset.done @!p0 $0x0  }
0x12b: {  	[sflag:s0] =	ssyncadd.s32 @!p0 s1  }
0x12c: {  	[bflag:$0x3] =	sbarrier.arrive $0xFFFF  }
0x12d: {  	_ =	shalt  }

</sc_bundles>
